<compile_context>
chip_gen: v7x
topology: tpu7x:2x2x1
jax: 0.10.2.dev20260603
libtpu: 0.0.44.dev20260713+nightly
codegen_flags: <defaults>
</compile_context>

<pallas_src>
import functools

import jax
import jax.numpy as jnp
from jax import lax
from jax.experimental import pallas as pl
from jax.experimental.pallas import tpu as pltpu
from jax.experimental.pallas import tpu_sc as plsc

N_NODES = 10000
N_EDGES = 320000
N_RELS = 100
D = 128
LANES = 16

NC = 2
NS = 16
NW = NC * NS
CH = 80
N_CHUNKS = 125
SLAB_CHUNKS = 128
SUP = 8
N_SUP = 16
E_PER_TILE = N_CHUNKS * CH
ROWS_PER_TILE = 624
LAST_TILE_ROWS = N_NODES - (NS - 1) * ROWS_PER_TILE


def _sc_agg_body(src_hbm, dst_hbm, typ_hbm, emb_hbm, rel_hbm, zagg_hbm, zdeg_hbm,
                 agg_out, deg_out,
                 idx_src, idx_dst, idx_typ, emb_a, emb_b, rel_a, rel_b, ones_v,
                 agg_sh, deg_sh, rel_sp,
                 sem_ga, sem_gb, sem_ra, sem_rb, sem_s, sem_d, sem_i):
    cid = lax.axis_index("c")
    sid = lax.axis_index("s")
    wid = cid * NS + sid

    row0 = sid * ROWS_PER_TILE

    @pl.when(sid < NS - 1)
    def _zero_agg():
        pltpu.sync_copy(zagg_hbm.at[pl.ds(row0, ROWS_PER_TILE)],
                        agg_sh.at[pl.ds(row0, ROWS_PER_TILE)])

    @pl.when(sid == NS - 1)
    def _zero_agg_last():
        pltpu.sync_copy(zagg_hbm.at[pl.ds((NS - 1) * ROWS_PER_TILE, LAST_TILE_ROWS)],
                        agg_sh.at[pl.ds((NS - 1) * ROWS_PER_TILE, LAST_TILE_ROWS)])

    @pl.when(sid == 0)
    def _zero_deg():
        pltpu.sync_copy(zdeg_hbm, deg_sh)

    @pl.when(sid == 1)
    def _stage_rel():
        pltpu.sync_copy(rel_hbm, rel_sp.at[pl.ds(0, N_RELS)])

    for k in range(CH // LANES):
        ones_v[pl.ds(k * LANES, LANES)] = jnp.full((LANES,), 1.0, jnp.float32)

    plsc.subcore_barrier()

    pltpu.sync_copy(src_hbm.at[wid, pl.ds(0, SUP)], idx_src.at[0])
    pltpu.sync_copy(dst_hbm.at[wid, pl.ds(0, SUP)], idx_dst.at[0])
    pltpu.sync_copy(typ_hbm.at[wid, pl.ds(0, SUP)], idx_typ.at[0])

    def mul_inplace(dst_rows, rel_rows):
        def mul_body(r, c2):
            for k in range(D // LANES):
                sl = pl.ds(k * LANES, LANES)
                dst_rows[r, sl] = dst_rows[r, sl] * rel_rows[r, sl]
            return c2
        lax.fori_loop(0, CH, mul_body, 0)

    PAIRS_PER_SUP = SUP // 2
    N_PAIRS = (N_CHUNKS - 1) // 2

    def pair_body(j, carry):
        sidx = j // PAIRS_PER_SUP
        slot = lax.rem(sidx, 2)
        nslot = 1 - slot
        jj = lax.rem(j, PAIRS_PER_SUP)
        i0 = 2 * jj
        i1 = i0 + 1
        idx_src_s = idx_src.at[slot]
        idx_dst_s = idx_dst.at[slot]
        idx_typ_s = idx_typ.at[slot]
        first_of_sup = jj == 0

        @pl.when(jnp.logical_and(first_of_sup, sidx > 0))
        def _wait_idx():
            for ref in (idx_src, idx_dst, idx_typ):
                pltpu.make_async_copy(src_hbm.at[wid, pl.ds(0, SUP)],
                                      ref.at[slot], sem_i).wait()

        @pl.when(jnp.logical_and(first_of_sup, sidx + 1 < N_SUP))
        def _prefetch_idx():
            c1 = (sidx + 1) * SUP
            pltpu.async_copy(src_hbm.at[wid, pl.ds(c1, SUP)],
                             idx_src.at[nslot], sem_i)
            pltpu.async_copy(dst_hbm.at[wid, pl.ds(c1, SUP)],
                             idx_dst.at[nslot], sem_i)
            pltpu.async_copy(typ_hbm.at[wid, pl.ds(c1, SUP)],
                             idx_typ.at[nslot], sem_i)

        ga = pltpu.async_copy(emb_hbm.at[idx_src_s.at[i0]], emb_a, sem_ga)
        ra = pltpu.async_copy(rel_sp.at[idx_typ_s.at[i0]], rel_a, sem_ra)

        @pl.when(j > 0)
        def _drain_prev():
            pltpu.make_async_copy(emb_b, agg_sh.at[pl.ds(0, CH)],
                                  sem_s).wait()
            pltpu.make_async_copy(ones_v, deg_sh.at[pl.ds(0, CH)],
                                  sem_d).wait()

        gb = pltpu.async_copy(emb_hbm.at[idx_src_s.at[i1]], emb_b, sem_gb)
        rb = pltpu.async_copy(rel_sp.at[idx_typ_s.at[i1]], rel_b, sem_rb)
        ga.wait()
        ra.wait()
        mul_inplace(emb_a, rel_a)
        sa = pltpu.async_copy(emb_a, agg_sh.at[idx_dst_s.at[i0]],
                              sem_s, add=True)
        da = pltpu.async_copy(ones_v, deg_sh.at[idx_dst_s.at[i0]],
                              sem_d, add=True)
        gb.wait()
        rb.wait()
        mul_inplace(emb_b, rel_b)
        sa.wait()
        da.wait()
        pltpu.async_copy(emb_b, agg_sh.at[idx_dst_s.at[i1]],
                         sem_s, add=True)
        pltpu.async_copy(ones_v, deg_sh.at[idx_dst_s.at[i1]],
                         sem_d, add=True)
        return carry

    lax.fori_loop(0, N_PAIRS, pair_body, 0)

    pltpu.make_async_copy(emb_b, agg_sh.at[pl.ds(0, CH)], sem_s).wait()
    pltpu.make_async_copy(ones_v, deg_sh.at[pl.ds(0, CH)], sem_d).wait()

    t_src = idx_src.at[(N_SUP - 1) % 2]
    t_dst = idx_dst.at[(N_SUP - 1) % 2]
    t_typ = idx_typ.at[(N_SUP - 1) % 2]
    t_row = N_CHUNKS - 1 - (N_SUP - 1) * SUP
    ga = pltpu.async_copy(emb_hbm.at[t_src.at[t_row]], emb_a, sem_ga)
    ra = pltpu.async_copy(rel_sp.at[t_typ.at[t_row]], rel_a, sem_ra)
    ga.wait()
    ra.wait()
    mul_inplace(emb_a, rel_a)
    pltpu.sync_copy(emb_a, agg_sh.at[t_dst.at[t_row]], add=True)
    pltpu.sync_copy(ones_v, deg_sh.at[t_dst.at[t_row]], add=True)

    plsc.subcore_barrier()

    @pl.when(sid < NS - 1)
    def _write_agg():
        pltpu.sync_copy(agg_sh.at[pl.ds(row0, ROWS_PER_TILE)],
                        agg_out.at[cid, pl.ds(row0, ROWS_PER_TILE)])

    @pl.when(sid == NS - 1)
    def _write_agg_last():
        pltpu.sync_copy(agg_sh.at[pl.ds((NS - 1) * ROWS_PER_TILE, LAST_TILE_ROWS)],
                        agg_out.at[cid, pl.ds((NS - 1) * ROWS_PER_TILE, LAST_TILE_ROWS)])

    @pl.when(sid == 0)
    def _write_deg():
        pltpu.sync_copy(deg_sh, deg_out.at[cid])


_sc_agg = functools.partial(
    pl.kernel,
    out_type=[
        jax.ShapeDtypeStruct((NC, N_NODES, D), jnp.float32),
        jax.ShapeDtypeStruct((NC, N_NODES), jnp.float32),
    ],
    mesh=plsc.VectorSubcoreMesh(core_axis_name="c", subcore_axis_name="s"),
    scratch_types=[
        pltpu.VMEM((2, SUP, CH), jnp.int32),
        pltpu.VMEM((2, SUP, CH), jnp.int32),
        pltpu.VMEM((2, SUP, CH), jnp.int32),
        pltpu.VMEM((CH, D), jnp.float32),
        pltpu.VMEM((CH, D), jnp.float32),
        pltpu.VMEM((CH, D), jnp.float32),
        pltpu.VMEM((CH, D), jnp.float32),
        pltpu.VMEM((CH,), jnp.float32),
        pltpu.VMEM_SHARED((N_NODES, D), jnp.float32),
        pltpu.VMEM_SHARED((N_NODES,), jnp.float32),
        pltpu.VMEM_SHARED((N_RELS + 4, D), jnp.float32),
        pltpu.SemaphoreType.DMA,
        pltpu.SemaphoreType.DMA,
        pltpu.SemaphoreType.DMA,
        pltpu.SemaphoreType.DMA,
        pltpu.SemaphoreType.DMA,
        pltpu.SemaphoreType.DMA,
        pltpu.SemaphoreType.DMA,
    ],
)(_sc_agg_body)


ROW_BLK = 1000


def _tc_finish_body(aggp_ref, degp_ref, emb_ref, w_ref, wl_ref, b_ref, out_ref):
    agg = aggp_ref[0] + aggp_ref[1]
    deg = degp_ref[0, :, 0] + degp_ref[1, :, 0]
    norm = 1.0 / jnp.maximum(deg, 1.0)
    x = agg * norm[:, None]
    acc = jnp.dot(x, w_ref[...], preferred_element_type=jnp.float32)
    acc = acc + jnp.dot(emb_ref[...], wl_ref[...],
                        preferred_element_type=jnp.float32)
    out_ref[...] = jnp.tanh(acc + b_ref[...])


def _tc_finish(aggp, degp, emb, W, W_loop, b2d):
    grid = (N_NODES // ROW_BLK,)
    return pl.pallas_call(
        _tc_finish_body,
        grid=grid,
        in_specs=[
            pl.BlockSpec((NC, ROW_BLK, D), lambda i: (0, i, 0)),
            pl.BlockSpec((NC, ROW_BLK, 1), lambda i: (0, i, 0)),
            pl.BlockSpec((ROW_BLK, D), lambda i: (i, 0)),
            pl.BlockSpec((D, D), lambda i: (0, 0)),
            pl.BlockSpec((D, D), lambda i: (0, 0)),
            pl.BlockSpec((1, D), lambda i: (0, 0)),
        ],
        out_specs=pl.BlockSpec((ROW_BLK, D), lambda i: (i, 0)),
        out_shape=jax.ShapeDtypeStruct((N_NODES, D), jnp.float32),
    )(aggp, degp.reshape(NC, N_NODES, 1), emb, W, W_loop, b2d)


def _slab(x):
    x = x.reshape(NW, E_PER_TILE)
    x = jnp.pad(x, ((0, 0), (0, SLAB_CHUNKS * CH - E_PER_TILE)))
    return x.reshape(NW, SLAB_CHUNKS, CH)


def kernel(t, emb, edge_index, edge_type, W, W_loop, rel_emb, b):
    src = _slab(edge_index[0])
    dst = _slab(edge_index[1])
    typ = _slab(edge_type)
    zagg = jnp.zeros((N_NODES, D), jnp.float32)
    zdeg = jnp.zeros((N_NODES,), jnp.float32)
    aggp, degp = _sc_agg(src, dst, typ, emb, rel_emb, zagg, zdeg)
    return _tc_finish(aggp, degp, emb, W, W_loop, b.reshape(1, D))

# --- scband reference (transcript-rebuilt; emitter-appended) ---
"""Pipeline reference for scband-mgcnlayer-wrapper-44736379355711 (READ-ONLY COPY).

The authoritative reference and input builder live on the scoring server;
editing this copy changes nothing except your own understanding.
"""

import jax, jax.numpy as jnp
import numpy as np

N_E = 10000      # num entities (nodes)
N_EDGES = 320000
N_REL = 100
D = 128          # initsize == hidsize == embsize (core_layer=1)


def setup_inputs(seed: int = 0) -> dict:
    key = jax.random.key(seed)
    ks = jax.random.split(key, 8)
    t = jnp.zeros((), dtype=jnp.float32)
    emb = jax.random.normal(ks[0], (N_E, D), dtype=jnp.float32)
    edge_index = jax.random.randint(ks[1], (2, N_EDGES), 0, N_E, dtype=jnp.int32)
    edge_type = jax.random.randint(ks[2], (N_EDGES,), 0, N_REL, dtype=jnp.int32)
    # MGCNConvLayer parameters (conv1): relation embeddings, neighbor transform,
    # self-loop transform, bias
    W = jax.random.normal(ks[3], (D, D), dtype=jnp.float32) * (1.0 / np.sqrt(D))
    W_loop = jax.random.normal(ks[4], (D, D), dtype=jnp.float32) * (1.0 / np.sqrt(D))
    rel_emb = jax.random.normal(ks[5], (N_REL, D), dtype=jnp.float32)
    b = jnp.zeros((D,), dtype=jnp.float32)
    return {"t": t, "emb": emb, "edge_index": edge_index, "edge_type": edge_type,
            "W": W, "W_loop": W_loop, "rel_emb": rel_emb, "b": b}


def _mgcn_conv(emb, edge_index, edge_type, W, W_loop, rel_emb, b):
    src = edge_index[0]
    dst = edge_index[1]
    # CompGCN/MGCN-style multiplicative composition of node and relation features
    msg = emb[src] * rel_emb[edge_type]                      # gather: [E, D]
    ones = jnp.ones((msg.shape[0],), dtype=jnp.float32)
    deg = jax.ops.segment_sum(ones, dst, num_segments=N_E)   # in-degree
    norm = 1.0 / jnp.clip(deg, 1.0, None)
    agg = jax.ops.segment_sum(msg, dst, num_segments=N_E)    # scatter-add: [N, D]
    agg = agg * norm[:, None]
    out = agg @ W + emb @ W_loop + b
    return jnp.tanh(out)


def reference(t, emb, edge_index, edge_type, W, W_loop, rel_emb, b):
    # MGCNLayerWrapper.forward(t, emb) with core_layer=1, res=False, jump=False.
    # t is the ODE time variable (unused by the layer math).
    # Dropout layers are identity at inference.
    emb_out = _mgcn_conv(emb, edge_index, edge_type, W, W_loop, rel_emb, b)
    return emb_out

if __name__ == "__main__":
    import jax
    _d = setup_inputs()
    print(jax.jit(kernel)(*tuple(_d.values())))

</pallas_src>

<mosaic_0001>
#map = affine_map<(d0, d1) -> (0, 0, 0)>
#map1 = affine_map<(d0, d1) -> (0, 0)>
#map2 = affine_map<(d0, d1) -> (0)>
module attributes {stable_mosaic.version = 14 : i64} {
  func.func @_sc_agg_body(%arg0: i32, %arg1: i32, %arg2: memref<32x128x80xi32, #tpu.memory_space<hbm>>, %arg3: memref<32x128x80xi32, #tpu.memory_space<hbm>>, %arg4: memref<32x128x80xi32, #tpu.memory_space<hbm>>, %arg5: memref<10000x128xf32, #tpu.memory_space<hbm>>, %arg6: memref<100x128xf32, #tpu.memory_space<hbm>>, %arg7: memref<10000x128xf32, #tpu.memory_space<hbm>>, %arg8: memref<10000xf32, #tpu.memory_space<hbm>>, %arg9: memref<2x10000x128xf32, #tpu.memory_space<hbm>>, %arg10: memref<2x10000xf32, #tpu.memory_space<hbm>>, %arg11: memref<2x8x80xi32, #tpu.memory_space<vmem>>, %arg12: memref<2x8x80xi32, #tpu.memory_space<vmem>>, %arg13: memref<2x8x80xi32, #tpu.memory_space<vmem>>, %arg14: memref<80x128xf32, #tpu.memory_space<vmem>>, %arg15: memref<80x128xf32, #tpu.memory_space<vmem>>, %arg16: memref<80x128xf32, #tpu.memory_space<vmem>>, %arg17: memref<80x128xf32, #tpu.memory_space<vmem>>, %arg18: memref<80xf32, #tpu.memory_space<vmem>>, %arg19: memref<10000x128xf32, #tpu.memory_space<vmem_shared>>, %arg20: memref<10000xf32, #tpu.memory_space<vmem_shared>>, %arg21: memref<104x128xf32, #tpu.memory_space<vmem_shared>>, %arg22: memref<!tpu.dma_semaphore, #tpu.memory_space<semaphore_mem>>, %arg23: memref<!tpu.dma_semaphore, #tpu.memory_space<semaphore_mem>>, %arg24: memref<!tpu.dma_semaphore, #tpu.memory_space<semaphore_mem>>, %arg25: memref<!tpu.dma_semaphore, #tpu.memory_space<semaphore_mem>>, %arg26: memref<!tpu.dma_semaphore, #tpu.memory_space<semaphore_mem>>, %arg27: memref<!tpu.dma_semaphore, #tpu.memory_space<semaphore_mem>>, %arg28: memref<!tpu.dma_semaphore, #tpu.memory_space<semaphore_mem>>) attributes {dimension_semantics = [#tpu.dimension_semantics<core_parallel>, #tpu.dimension_semantics<subcore_parallel>], iteration_bounds = array<i64: 2, 16>, scalar_prefetch = 0 : i64, scratch_operands = 18 : i64, tpu.core_type = #tpu.core_type<sc_vector_subcore>, window_params = [{transform_indices = #map}, {transform_indices = #map}, {transform_indices = #map}, {transform_indices = #map1}, {transform_indices = #map1}, {transform_indices = #map1}, {transform_indices = #map2}, {transform_indices = #map}, {transform_indices = #map1}]} {
    %mul3A = arith.constant 16 : i32
    %mul3A_0 = arith.muli %arg0, %mul3A : i32
    %add3A = arith.addi %mul3A_0, %arg1 : i32
    %mul3A_1 = arith.constant 624 : i32
    %mul3A_2 = arith.muli %arg1, %mul3A_1 : i32
    %lt3A = arith.constant 15 : i32
    %lt3A_3 = arith.cmpi slt, %arg1, %lt3A : i32
    %convert_element_type3A = arith.extui %lt3A_3 : i1 to i32
    %cond3A = arith.constant 0 : i32
    %cond3A_4 = arith.cmpi ne, %convert_element_type3A, %cond3A : i32
    scf.if %cond3A_4 {
      "tpu.region"() ({
        %run_scoped3A_136 = tpu.sem_alloc : memref<!tpu.dma_semaphore, #tpu.memory_space<semaphore_mem>>
        %dma_start3A_137 = arith.constant 0 : i32
        %dma_start3A_138 = tpu.memref_slice %arg19[%mul3A_2, %dma_start3A_137] : memref<10000x128xf32, #tpu.memory_space<vmem_shared>> -> memref<624x128xf32, #tpu.memory_space<vmem_shared>>
        %dma_start3A_139 = arith.constant 0 : i32
        %dma_start3A_140 = tpu.memref_slice %arg7[%mul3A_2, %dma_start3A_139] : memref<10000x128xf32, #tpu.memory_space<hbm>> -> memref<624x128xf32, #tpu.memory_space<hbm>>
        tpu.enqueue_dma source(%dma_start3A_140 : memref<624x128xf32, #tpu.memory_space<hbm>>) target(%dma_start3A_138 : memref<624x128xf32, #tpu.memory_space<vmem_shared>>) target_semaphore(%run_scoped3A_136 : memref<!tpu.dma_semaphore, #tpu.memory_space<semaphore_mem>>)
        %dma_wait3A_141 = arith.constant 0 : i32
        %dma_wait3A_142 = tpu.memref_slice %arg19[%mul3A_2, %dma_wait3A_141] : memref<10000x128xf32, #tpu.memory_space<vmem_shared>> -> memref<624x128xf32, #tpu.memory_space<vmem_shared>>
        %dma_wait3A_143 = arith.constant 0 : i32
        %dma_wait3A_144 = tpu.memref_slice %arg7[%mul3A_2, %dma_wait3A_143] : memref<10000x128xf32, #tpu.memory_space<hbm>> -> memref<624x128xf32, #tpu.memory_space<hbm>>
        tpu.wait_dma2 semaphore(%run_scoped3A_136 : memref<!tpu.dma_semaphore, #tpu.memory_space<semaphore_mem>>) src(%dma_wait3A_144 : memref<624x128xf32, #tpu.memory_space<hbm>>) dst(%dma_wait3A_142 : memref<624x128xf32, #tpu.memory_space<vmem_shared>>)
        tpu.yield
      }) : () -> ()
    } else {
    }
    %eq3A = arith.constant 15 : i32
    %eq3A_5 = arith.cmpi eq, %arg1, %eq3A : i32
    %convert_element_type3A_6 = arith.extui %eq3A_5 : i1 to i32
    %cond3A_7 = arith.constant 0 : i32
    %cond3A_8 = arith.cmpi ne, %convert_element_type3A_6, %cond3A_7 : i32
    scf.if %cond3A_8 {
      "tpu.region"() ({
        %run_scoped3A_136 = tpu.sem_alloc : memref<!tpu.dma_semaphore, #tpu.memory_space<semaphore_mem>>
        %dma_start3A_137 = arith.constant 9360 : i32
        %dma_start3A_138 = arith.constant 0 : i32
        %dma_start3A_139 = tpu.memref_slice %arg19[%dma_start3A_137, %dma_start3A_138] : memref<10000x128xf32, #tpu.memory_space<vmem_shared>> -> memref<640x128xf32, #tpu.memory_space<vmem_shared>>
        %dma_start3A_140 = arith.constant 9360 : i32
        %dma_start3A_141 = arith.constant 0 : i32
        %dma_start3A_142 = tpu.memref_slice %arg7[%dma_start3A_140, %dma_start3A_141] : memref<10000x128xf32, #tpu.memory_space<hbm>> -> memref<640x128xf32, #tpu.memory_space<hbm>>
        tpu.enqueue_dma source(%dma_start3A_142 : memref<640x128xf32, #tpu.memory_space<hbm>>) target(%dma_start3A_139 : memref<640x128xf32, #tpu.memory_space<vmem_shared>>) target_semaphore(%run_scoped3A_136 : memref<!tpu.dma_semaphore, #tpu.memory_space<semaphore_mem>>)
        %dma_wait3A_143 = arith.constant 9360 : i32
        %dma_wait3A_144 = arith.constant 0 : i32
        %dma_wait3A_145 = tpu.memref_slice %arg19[%dma_wait3A_143, %dma_wait3A_144] : memref<10000x128xf32, #tpu.memory_space<vmem_shared>> -> memref<640x128xf32, #tpu.memory_space<vmem_shared>>
        %dma_wait3A_146 = arith.constant 9360 : i32
        %dma_wait3A_147 = arith.constant 0 : i32
        %dma_wait3A_148 = tpu.memref_slice %arg7[%dma_wait3A_146, %dma_wait3A_147] : memref<10000x128xf32, #tpu.memory_space<hbm>> -> memref<640x128xf32, #tpu.memory_space<hbm>>
        tpu.wait_dma2 semaphore(%run_scoped3A_136 : memref<!tpu.dma_semaphore, #tpu.memory_space<semaphore_mem>>) src(%dma_wait3A_148 : memref<640x128xf32, #tpu.memory_space<hbm>>) dst(%dma_wait3A_145 : memref<640x128xf32, #tpu.memory_space<vmem_shared>>)
        tpu.yield
      }) : () -> ()
    } else {
    }
    %eq3A_9 = arith.constant 0 : i32
    %eq3A_10 = arith.cmpi eq, %arg1, %eq3A_9 : i32
    %convert_element_type3A_11 = arith.extui %eq3A_10 : i1 to i32
    %cond3A_12 = arith.constant 0 : i32
    %cond3A_13 = arith.cmpi ne, %convert_element_type3A_11, %cond3A_12 : i32
    scf.if %cond3A_13 {
      "tpu.region"() ({
        %run_scoped3A_136 = tpu.sem_alloc : memref<!tpu.dma_semaphore, #tpu.memory_space<semaphore_mem>>
        tpu.enqueue_dma source(%arg8 : memref<10000xf32, #tpu.memory_space<hbm>>) target(%arg20 : memref<10000xf32, #tpu.memory_space<vmem_shared>>) target_semaphore(%run_scoped3A_136 : memref<!tpu.dma_semaphore, #tpu.memory_space<semaphore_mem>>)
        tpu.wait_dma2 semaphore(%run_scoped3A_136 : memref<!tpu.dma_semaphore, #tpu.memory_space<semaphore_mem>>) src(%arg8 : memref<10000xf32, #tpu.memory_space<hbm>>) dst(%arg20 : memref<10000xf32, #tpu.memory_space<vmem_shared>>)
        tpu.yield
      }) : () -> ()
    } else {
    }
    %eq3A_14 = arith.constant 1 : i32
    %eq3A_15 = arith.cmpi eq, %arg1, %eq3A_14 : i32
    %convert_element_type3A_16 = arith.extui %eq3A_15 : i1 to i32
    %cond3A_17 = arith.constant 0 : i32
    %cond3A_18 = arith.cmpi ne, %convert_element_type3A_16, %cond3A_17 : i32
    scf.if %cond3A_18 {
      "tpu.region"() ({
        %run_scoped3A_136 = tpu.sem_alloc : memref<!tpu.dma_semaphore, #tpu.memory_space<semaphore_mem>>
        %dma_start3A_137 = arith.constant 0 : i32
        %dma_start3A_138 = arith.constant 0 : i32
        %dma_start3A_139 = tpu.memref_slice %arg21[%dma_start3A_137, %dma_start3A_138] : memref<104x128xf32, #tpu.memory_space<vmem_shared>> -> memref<100x128xf32, #tpu.memory_space<vmem_shared>>
        tpu.enqueue_dma source(%arg6 : memref<100x128xf32, #tpu.memory_space<hbm>>) target(%dma_start3A_139 : memref<100x128xf32, #tpu.memory_space<vmem_shared>>) target_semaphore(%run_scoped3A_136 : memref<!tpu.dma_semaphore, #tpu.memory_space<semaphore_mem>>)
        %dma_wait3A_140 = arith.constant 0 : i32
        %dma_wait3A_141 = arith.constant 0 : i32
        %dma_wait3A_142 = tpu.memref_slice %arg21[%dma_wait3A_140, %dma_wait3A_141] : memref<104x128xf32, #tpu.memory_space<vmem_shared>> -> memref<100x128xf32, #tpu.memory_space<vmem_shared>>
        tpu.wait_dma2 semaphore(%run_scoped3A_136 : memref<!tpu.dma_semaphore, #tpu.memory_space<semaphore_mem>>) src(%arg6 : memref<100x128xf32, #tpu.memory_space<hbm>>) dst(%dma_wait3A_142 : memref<100x128xf32, #tpu.memory_space<vmem_shared>>)
        tpu.yield
      }) : () -> ()
    } else {
    }
    %broadcast_in_dim3A = arith.constant 1.000000e+00 : f32
    %broadcast_in_dim3A_19 = vector.broadcast %broadcast_in_dim3A : f32 to vector<16xf32>
    %swap3A = arith.constant 0 : index
    %swap3A_20 = tpu.vector_load %arg18[%swap3A] {strides = array<i32>} : memref<80xf32, #tpu.memory_space<vmem>>, vector<16xf32>,
    %swap3A_21 = vector.shape_cast %swap3A_20 : vector<16xf32> to vector<16xf32>
    %swap3A_22 = vector.shape_cast %broadcast_in_dim3A_19 : vector<16xf32> to vector<16xf32>
    tpu.vector_store %arg18[%swap3A], %swap3A_22 {strides = array<i32>} : memref<80xf32, #tpu.memory_space<vmem>>, vector<16xf32>,
    %broadcast_in_dim3A_23 = arith.constant 1.000000e+00 : f32
    %broadcast_in_dim3A_24 = vector.broadcast %broadcast_in_dim3A_23 : f32 to vector<16xf32>
    %swap3A_25 = arith.constant 16 : index
    %swap3A_26 = tpu.vector_load %arg18[%swap3A_25] {strides = array<i32>} : memref<80xf32, #tpu.memory_space<vmem>>, vector<16xf32>,
    %swap3A_27 = vector.shape_cast %swap3A_26 : vector<16xf32> to vector<16xf32>
    %swap3A_28 = vector.shape_cast %broadcast_in_dim3A_24 : vector<16xf32> to vector<16xf32>
    tpu.vector_store %arg18[%swap3A_25], %swap3A_28 {strides = array<i32>} : memref<80xf32, #tpu.memory_space<vmem>>, vector<16xf32>,
    %broadcast_in_dim3A_29 = arith.constant 1.000000e+00 : f32
    %broadcast_in_dim3A_30 = vector.broadcast %broadcast_in_dim3A_29 : f32 to vector<16xf32>
    %swap3A_31 = arith.constant 32 : index
    %swap3A_32 = tpu.vector_load %arg18[%swap3A_31] {strides = array<i32>} : memref<80xf32, #tpu.memory_space<vmem>>, vector<16xf32>,
    %swap3A_33 = vector.shape_cast %swap3A_32 : vector<16xf32> to vector<16xf32>
    %swap3A_34 = vector.shape_cast %broadcast_in_dim3A_30 : vector<16xf32> to vector<16xf32>
    tpu.vector_store %arg18[%swap3A_31], %swap3A_34 {strides = array<i32>} : memref<80xf32, #tpu.memory_space<vmem>>, vector<16xf32>,
    %broadcast_in_dim3A_35 = arith.constant 1.000000e+00 : f32
    %broadcast_in_dim3A_36 = vector.broadcast %broadcast_in_dim3A_35 : f32 to vector<16xf32>
    %swap3A_37 = arith.constant 48 : index
    %swap3A_38 = tpu.vector_load %arg18[%swap3A_37] {strides = array<i32>} : memref<80xf32, #tpu.memory_space<vmem>>, vector<16xf32>,
    %swap3A_39 = vector.shape_cast %swap3A_38 : vector<16xf32> to vector<16xf32>
    %swap3A_40 = vector.shape_cast %broadcast_in_dim3A_36 : vector<16xf32> to vector<16xf32>
    tpu.vector_store %arg18[%swap3A_37], %swap3A_40 {strides = array<i32>} : memref<80xf32, #tpu.memory_space<vmem>>, vector<16xf32>,
    %broadcast_in_dim3A_41 = arith.constant 1.000000e+00 : f32
    %broadcast_in_dim3A_42 = vector.broadcast %broadcast_in_dim3A_41 : f32 to vector<16xf32>
    %swap3A_43 = arith.constant 64 : index
    %swap3A_44 = tpu.vector_load %arg18[%swap3A_43] {strides = array<i32>} : memref<80xf32, #tpu.memory_space<vmem>>, vector<16xf32>,
    %swap3A_45 = vector.shape_cast %swap3A_44 : vector<16xf32> to vector<16xf32>
    %swap3A_46 = vector.shape_cast %broadcast_in_dim3A_42 : vector<16xf32> to vector<16xf32>
    tpu.vector_store %arg18[%swap3A_43], %swap3A_46 {strides = array<i32>} : memref<80xf32, #tpu.memory_space<vmem>>, vector<16xf32>,
    %barrier3A = arith.constant 0 : index
    tpu.barrier barrier_id(%barrier3A)
    %run_scoped3A = arith.constant 0 : i32
    "tpu.region"() ({
      %run_scoped3A_136 = tpu.sem_alloc : memref<!tpu.dma_semaphore, #tpu.memory_space<semaphore_mem>>
      %dma_start3A_137 = arith.constant 0 : i32
      %dma_start3A_138 = arith.constant 0 : i32
      %dma_start3A_139 = tpu.memref_slice %arg11[%run_scoped3A, %dma_start3A_137, %dma_start3A_138] : memref<2x8x80xi32, #tpu.memory_space<vmem>> -> memref<1x8x80xi32, #tpu.memory_space<vmem>>
      %dma_start3A_140 = tpu.memref_squeeze %dma_start3A_139 : memref<1x8x80xi32, #tpu.memory_space<vmem>> -> memref<8x80xi32, #tpu.memory_space<vmem>>
      %dma_start3A_141 = arith.constant 0 : i32
      %dma_start3A_142 = arith.constant 0 : i32
      %dma_start3A_143 = tpu.memref_slice %arg2[%add3A, %dma_start3A_141, %dma_start3A_142] : memref<32x128x80xi32, #tpu.memory_space<hbm>> -> memref<1x8x80xi32, #tpu.memory_space<hbm>>
      %dma_start3A_144 = tpu.memref_squeeze %dma_start3A_143 : memref<1x8x80xi32, #tpu.memory_space<hbm>> -> memref<8x80xi32, #tpu.memory_space<hbm>>
      %dma_start3A_145 = arith.constant 0 : i32
      %dma_start3A_146 = arith.constant 0 : i32
      %dma_start3A_147 = tpu.memref_slice %arg11[%run_scoped3A, %dma_start3A_145, %dma_start3A_146] : memref<2x8x80xi32, #tpu.memory_space<vmem>> -> memref<1x8x80xi32, #tpu.memory_space<vmem>>
      %dma_start3A_148 = tpu.memref_squeeze %dma_start3A_147 : memref<1x8x80xi32, #tpu.memory_space<vmem>> -> memref<8x80xi32, #tpu.memory_space<vmem>>
      %dma_start3A_149 = arith.constant 0 : i32
      %dma_start3A_150 = arith.constant 0 : i32
      %dma_start3A_151 = tpu.memref_slice %arg2[%add3A, %dma_start3A_149, %dma_start3A_150] : memref<32x128x80xi32, #tpu.memory_space<hbm>> -> memref<1x8x80xi32, #tpu.memory_space<hbm>>
      %dma_start3A_152 = tpu.memref_squeeze %dma_start3A_151 : memref<1x8x80xi32, #tpu.memory_space<hbm>> -> memref<8x80xi32, #tpu.memory_space<hbm>>
      tpu.enqueue_dma source(%dma_start3A_152 : memref<8x80xi32, #tpu.memory_space<hbm>>) target(%dma_start3A_148 : memref<8x80xi32, #tpu.memory_space<vmem>>) target_semaphore(%run_scoped3A_136 : memref<!tpu.dma_semaphore, #tpu.memory_space<semaphore_mem>>)
      %dma_wait3A_153 = arith.constant 0 : i32
      %dma_wait3A_154 = arith.constant 0 : i32
      %dma_wait3A_155 = tpu.memref_slice %arg11[%run_scoped3A, %dma_wait3A_153, %dma_wait3A_154] : memref<2x8x80xi32, #tpu.memory_space<vmem>> -> memref<1x8x80xi32, #tpu.memory_space<vmem>>
      %dma_wait3A_156 = tpu.memref_squeeze %dma_wait3A_155 : memref<1x8x80xi32, #tpu.memory_space<vmem>> -> memref<8x80xi32, #tpu.memory_space<vmem>>
      %dma_wait3A_157 = arith.constant 0 : i32
      %dma_wait3A_158 = arith.constant 0 : i32
      %dma_wait3A_159 = tpu.memref_slice %arg2[%add3A, %dma_wait3A_157, %dma_wait3A_158] : memref<32x128x80xi32, #tpu.memory_space<hbm>> -> memref<1x8x80xi32, #tpu.memory_space<hbm>>
      %dma_wait3A_160 = tpu.memref_squeeze %dma_wait3A_159 : memref<1x8x80xi32, #tpu.memory_space<hbm>> -> memref<8x80xi32, #tpu.memory_space<hbm>>
      %dma_wait3A_161 = arith.constant 0 : i32
      %dma_wait3A_162 = arith.constant 0 : i32
      %dma_wait3A_163 = tpu.memref_slice %arg11[%run_scoped3A, %dma_wait3A_161, %dma_wait3A_162] : memref<2x8x80xi32, #tpu.memory_space<vmem>> -> memref<1x8x80xi32, #tpu.memory_space<vmem>>
      %dma_wait3A_164 = tpu.memref_squeeze %dma_wait3A_163 : memref<1x8x80xi32, #tpu.memory_space<vmem>> -> memref<8x80xi32, #tpu.memory_space<vmem>>
      %dma_wait3A_165 = arith.constant 0 : i32
      %dma_wait3A_166 = arith.constant 0 : i32
      %dma_wait3A_167 = tpu.memref_slice %arg2[%add3A, %dma_wait3A_165, %dma_wait3A_166] : memref<32x128x80xi32, #tpu.memory_space<hbm>> -> memref<1x8x80xi32, #tpu.memory_space<hbm>>
      %dma_wait3A_168 = tpu.memref_squeeze %dma_wait3A_167 : memref<1x8x80xi32, #tpu.memory_space<hbm>> -> memref<8x80xi32, #tpu.memory_space<hbm>>
      tpu.wait_dma2 semaphore(%run_scoped3A_136 : memref<!tpu.dma_semaphore, #tpu.memory_space<semaphore_mem>>) src(%dma_wait3A_168 : memref<8x80xi32, #tpu.memory_space<hbm>>) dst(%dma_wait3A_164 : memref<8x80xi32, #tpu.memory_space<vmem>>)
      tpu.yield
    }) : () -> ()
    %run_scoped3A_47 = arith.constant 0 : i32
    "tpu.region"() ({
      %run_scoped3A_136 = tpu.sem_alloc : memref<!tpu.dma_semaphore, #tpu.memory_space<semaphore_mem>>
      %dma_start3A_137 = arith.constant 0 : i32
      %dma_start3A_138 = arith.constant 0 : i32
      %dma_start3A_139 = tpu.memref_slice %arg12[%run_scoped3A_47, %dma_start3A_137, %dma_start3A_138] : memref<2x8x80xi32, #tpu.memory_space<vmem>> -> memref<1x8x80xi32, #tpu.memory_space<vmem>>
      %dma_start3A_140 = tpu.memref_squeeze %dma_start3A_139 : memref<1x8x80xi32, #tpu.memory_space<vmem>> -> memref<8x80xi32, #tpu.memory_space<vmem>>
      %dma_start3A_141 = arith.constant 0 : i32
      %dma_start3A_142 = arith.constant 0 : i32
      %dma_start3A_143 = tpu.memref_slice %arg3[%add3A, %dma_start3A_141, %dma_start3A_142] : memref<32x128x80xi32, #tpu.memory_space<hbm>> -> memref<1x8x80xi32, #tpu.memory_space<hbm>>
      %dma_start3A_144 = tpu.memref_squeeze %dma_start3A_143 : memref<1x8x80xi32, #tpu.memory_space<hbm>> -> memref<8x80xi32, #tpu.memory_space<hbm>>
      %dma_start3A_145 = arith.constant 0 : i32
      %dma_start3A_146 = arith.constant 0 : i32
      %dma_start3A_147 = tpu.memref_slice %arg12[%run_scoped3A_47, %dma_start3A_145, %dma_start3A_146] : memref<2x8x80xi32, #tpu.memory_space<vmem>> -> memref<1x8x80xi32, #tpu.memory_space<vmem>>
      %dma_start3A_148 = tpu.memref_squeeze %dma_start3A_147 : memref<1x8x80xi32, #tpu.memory_space<vmem>> -> memref<8x80xi32, #tpu.memory_space<vmem>>
      %dma_start3A_149 = arith.constant 0 : i32
      %dma_start3A_150 = arith.constant 0 : i32
      %dma_start3A_151 = tpu.memref_slice %arg3[%add3A, %dma_start3A_149, %dma_start3A_150] : memref<32x128x80xi32, #tpu.memory_space<hbm>> -> memref<1x8x80xi32, #tpu.memory_space<hbm>>
      %dma_start3A_152 = tpu.memref_squeeze %dma_start3A_151 : memref<1x8x80xi32, #tpu.memory_space<hbm>> -> memref<8x80xi32, #tpu.memory_space<hbm>>
      tpu.enqueue_dma source(%dma_start3A_152 : memref<8x80xi32, #tpu.memory_space<hbm>>) target(%dma_start3A_148 : memref<8x80xi32, #tpu.memory_space<vmem>>) target_semaphore(%run_scoped3A_136 : memref<!tpu.dma_semaphore, #tpu.memory_space<semaphore_mem>>)
      %dma_wait3A_153 = arith.constant 0 : i32
      %dma_wait3A_154 = arith.constant 0 : i32
      %dma_wait3A_155 = tpu.memref_slice %arg12[%run_scoped3A_47, %dma_wait3A_153, %dma_wait3A_154] : memref<2x8x80xi32, #tpu.memory_space<vmem>> -> memref<1x8x80xi32, #tpu.memory_space<vmem>>
      %dma_wait3A_156 = tpu.memref_squeeze %dma_wait3A_155 : memref<1x8x80xi32, #tpu.memory_space<vmem>> -> memref<8x80xi32, #tpu.memory_space<vmem>>
      %dma_wait3A_157 = arith.constant 0 : i32
      %dma_wait3A_158 = arith.constant 0 : i32
      %dma_wait3A_159 = tpu.memref_slice %arg3[%add3A, %dma_wait3A_157, %dma_wait3A_158] : memref<32x128x80xi32, #tpu.memory_space<hbm>> -> memref<1x8x80xi32, #tpu.memory_space<hbm>>
      %dma_wait3A_160 = tpu.memref_squeeze %dma_wait3A_159 : memref<1x8x80xi32, #tpu.memory_space<hbm>> -> memref<8x80xi32, #tpu.memory_space<hbm>>
      %dma_wait3A_161 = arith.constant 0 : i32
      %dma_wait3A_162 = arith.constant 0 : i32
      %dma_wait3A_163 = tpu.memref_slice %arg12[%run_scoped3A_47, %dma_wait3A_161, %dma_wait3A_162] : memref<2x8x80xi32, #tpu.memory_space<vmem>> -> memref<1x8x80xi32, #tpu.memory_space<vmem>>
      %dma_wait3A_164 = tpu.memref_squeeze %dma_wait3A_163 : memref<1x8x80xi32, #tpu.memory_space<vmem>> -> memref<8x80xi32, #tpu.memory_space<vmem>>
      %dma_wait3A_165 = arith.constant 0 : i32
      %dma_wait3A_166 = arith.constant 0 : i32
      %dma_wait3A_167 = tpu.memref_slice %arg3[%add3A, %dma_wait3A_165, %dma_wait3A_166] : memref<32x128x80xi32, #tpu.memory_space<hbm>> -> memref<1x8x80xi32, #tpu.memory_space<hbm>>
      %dma_wait3A_168 = tpu.memref_squeeze %dma_wait3A_167 : memref<1x8x80xi32, #tpu.memory_space<hbm>> -> memref<8x80xi32, #tpu.memory_space<hbm>>
      tpu.wait_dma2 semaphore(%run_scoped3A_136 : memref<!tpu.dma_semaphore, #tpu.memory_space<semaphore_mem>>) src(%dma_wait3A_168 : memref<8x80xi32, #tpu.memory_space<hbm>>) dst(%dma_wait3A_164 : memref<8x80xi32, #tpu.memory_space<vmem>>)
      tpu.yield
    }) : () -> ()
    %run_scoped3A_48 = arith.constant 0 : i32
    "tpu.region"() ({
      %run_scoped3A_136 = tpu.sem_alloc : memref<!tpu.dma_semaphore, #tpu.memory_space<semaphore_mem>>
      %dma_start3A_137 = arith.constant 0 : i32
      %dma_start3A_138 = arith.constant 0 : i32
      %dma_start3A_139 = tpu.memref_slice %arg13[%run_scoped3A_48, %dma_start3A_137, %dma_start3A_138] : memref<2x8x80xi32, #tpu.memory_space<vmem>> -> memref<1x8x80xi32, #tpu.memory_space<vmem>>
      %dma_start3A_140 = tpu.memref_squeeze %dma_start3A_139 : memref<1x8x80xi32, #tpu.memory_space<vmem>> -> memref<8x80xi32, #tpu.memory_space<vmem>>
      %dma_start3A_141 = arith.constant 0 : i32
      %dma_start3A_142 = arith.constant 0 : i32
      %dma_start3A_143 = tpu.memref_slice %arg4[%add3A, %dma_start3A_141, %dma_start3A_142] : memref<32x128x80xi32, #tpu.memory_space<hbm>> -> memref<1x8x80xi32, #tpu.memory_space<hbm>>
      %dma_start3A_144 = tpu.memref_squeeze %dma_start3A_143 : memref<1x8x80xi32, #tpu.memory_space<hbm>> -> memref<8x80xi32, #tpu.memory_space<hbm>>
      %dma_start3A_145 = arith.constant 0 : i32
      %dma_start3A_146 = arith.constant 0 : i32
      %dma_start3A_147 = tpu.memref_slice %arg13[%run_scoped3A_48, %dma_start3A_145, %dma_start3A_146] : memref<2x8x80xi32, #tpu.memory_space<vmem>> -> memref<1x8x80xi32, #tpu.memory_space<vmem>>
      %dma_start3A_148 = tpu.memref_squeeze %dma_start3A_147 : memref<1x8x80xi32, #tpu.memory_space<vmem>> -> memref<8x80xi32, #tpu.memory_space<vmem>>
      %dma_start3A_149 = arith.constant 0 : i32
      %dma_start3A_150 = arith.constant 0 : i32
      %dma_start3A_151 = tpu.memref_slice %arg4[%add3A, %dma_start3A_149, %dma_start3A_150] : memref<32x128x80xi32, #tpu.memory_space<hbm>> -> memref<1x8x80xi32, #tpu.memory_space<hbm>>
      %dma_start3A_152 = tpu.memref_squeeze %dma_start3A_151 : memref<1x8x80xi32, #tpu.memory_space<hbm>> -> memref<8x80xi32, #tpu.memory_space<hbm>>
      tpu.enqueue_dma source(%dma_start3A_152 : memref<8x80xi32, #tpu.memory_space<hbm>>) target(%dma_start3A_148 : memref<8x80xi32, #tpu.memory_space<vmem>>) target_semaphore(%run_scoped3A_136 : memref<!tpu.dma_semaphore, #tpu.memory_space<semaphore_mem>>)
      %dma_wait3A_153 = arith.constant 0 : i32
      %dma_wait3A_154 = arith.constant 0 : i32
      %dma_wait3A_155 = tpu.memref_slice %arg13[%run_scoped3A_48, %dma_wait3A_153, %dma_wait3A_154] : memref<2x8x80xi32, #tpu.memory_space<vmem>> -> memref<1x8x80xi32, #tpu.memory_space<vmem>>
      %dma_wait3A_156 = tpu.memref_squeeze %dma_wait3A_155 : memref<1x8x80xi32, #tpu.memory_space<vmem>> -> memref<8x80xi32, #tpu.memory_space<vmem>>
      %dma_wait3A_157 = arith.constant 0 : i32
      %dma_wait3A_158 = arith.constant 0 : i32
      %dma_wait3A_159 = tpu.memref_slice %arg4[%add3A, %dma_wait3A_157, %dma_wait3A_158] : memref<32x128x80xi32, #tpu.memory_space<hbm>> -> memref<1x8x80xi32, #tpu.memory_space<hbm>>
      %dma_wait3A_160 = tpu.memref_squeeze %dma_wait3A_159 : memref<1x8x80xi32, #tpu.memory_space<hbm>> -> memref<8x80xi32, #tpu.memory_space<hbm>>
      %dma_wait3A_161 = arith.constant 0 : i32
      %dma_wait3A_162 = arith.constant 0 : i32
      %dma_wait3A_163 = tpu.memref_slice %arg13[%run_scoped3A_48, %dma_wait3A_161, %dma_wait3A_162] : memref<2x8x80xi32, #tpu.memory_space<vmem>> -> memref<1x8x80xi32, #tpu.memory_space<vmem>>
      %dma_wait3A_164 = tpu.memref_squeeze %dma_wait3A_163 : memref<1x8x80xi32, #tpu.memory_space<vmem>> -> memref<8x80xi32, #tpu.memory_space<vmem>>
      %dma_wait3A_165 = arith.constant 0 : i32
      %dma_wait3A_166 = arith.constant 0 : i32
      %dma_wait3A_167 = tpu.memref_slice %arg4[%add3A, %dma_wait3A_165, %dma_wait3A_166] : memref<32x128x80xi32, #tpu.memory_space<hbm>> -> memref<1x8x80xi32, #tpu.memory_space<hbm>>
      %dma_wait3A_168 = tpu.memref_squeeze %dma_wait3A_167 : memref<1x8x80xi32, #tpu.memory_space<hbm>> -> memref<8x80xi32, #tpu.memory_space<hbm>>
      tpu.wait_dma2 semaphore(%run_scoped3A_136 : memref<!tpu.dma_semaphore, #tpu.memory_space<semaphore_mem>>) src(%dma_wait3A_168 : memref<8x80xi32, #tpu.memory_space<hbm>>) dst(%dma_wait3A_164 : memref<8x80xi32, #tpu.memory_space<vmem>>)
      tpu.yield
    }) : () -> ()
    %scan3A = arith.constant 0 : i32
    %scan3A_49 = arith.constant 0 : i32
    %scan3A_50 = arith.constant 62 : i32
    %scan3A_51 = arith.addi %scan3A_49, %scan3A_50 : i32
    %scan3A_52 = arith.constant 1 : i32
    scf.for %scan3A_136 = %scan3A_49 to %scan3A_51 step %scan3A_52  : i32 {
      %jit3A = arith.constant 4 : i32
      %div3A = arith.divsi %scan3A_136, %jit3A : i32
      %sign3A = arith.constant 0 : i32
      %sign3A_137 = arith.cmpi sgt, %scan3A_136, %sign3A : i32
      %sign3A_138 = arith.extui %sign3A_137 : i1 to i32
      %sign3A_139 = arith.constant 0 : i32
      %sign3A_140 = arith.cmpi slt, %scan3A_136, %sign3A_139 : i32
      %sign3A_141 = arith.extui %sign3A_140 : i1 to i32
      %sign3A_142 = arith.subi %sign3A_138, %sign3A_141 : i32
      %sign3A_143 = arith.constant 0 : i32
      %sign3A_144 = arith.cmpi sgt, %jit3A, %sign3A_143 : i32
      %sign3A_145 = arith.extui %sign3A_144 : i1 to i32
      %sign3A_146 = arith.constant 0 : i32
      %sign3A_147 = arith.cmpi slt, %jit3A, %sign3A_146 : i32
      %sign3A_148 = arith.extui %sign3A_147 : i1 to i32
      %sign3A_149 = arith.subi %sign3A_145, %sign3A_148 : i32
      %ne3A = arith.cmpi ne, %sign3A_142, %sign3A_149 : i32
      %rem3A = arith.remsi %scan3A_136, %jit3A : i32
      %ne3A_150 = arith.constant 0 : i32
      %ne3A_151 = arith.cmpi ne, %rem3A, %ne3A_150 : i32
      %and3A = arith.andi %ne3A, %ne3A_151 : i1
      %sub3A = arith.constant 1 : i32
      %sub3A_152 = arith.subi %div3A, %sub3A : i32
      %select_n3A = arith.select %and3A, %sub3A_152, %div3A : i32
      %rem3A_153 = arith.constant 2 : i32
      %rem3A_154 = arith.remsi %select_n3A, %rem3A_153 : i32
      %sub3A_155 = arith.constant 1 : i32
      %sub3A_156 = arith.subi %sub3A_155, %rem3A_154 : i32
      %rem3A_157 = arith.constant 4 : i32
      %rem3A_158 = arith.remsi %scan3A_136, %rem3A_157 : i32
      %mul3A_159 = arith.constant 2 : i32
      %mul3A_160 = arith.muli %mul3A_159, %rem3A_158 : i32
      %add3A_161 = arith.constant 1 : i32
      %add3A_162 = arith.addi %mul3A_160, %add3A_161 : i32
      %eq3A_163 = arith.constant 0 : i32
      %eq3A_164 = arith.cmpi eq, %rem3A_158, %eq3A_163 : i32
      %gt3A = arith.constant 0 : i32
      %gt3A_165 = arith.cmpi sgt, %select_n3A, %gt3A : i32
      %and3A_166 = arith.andi %eq3A_164, %gt3A_165 : i1
      %convert_element_type3A_167 = arith.extui %and3A_166 : i1 to i32
      %cond3A_168 = arith.constant 0 : i32
      %cond3A_169 = arith.cmpi ne, %convert_element_type3A_167, %cond3A_168 : i32
      scf.if %cond3A_169 {
        %dma_wait3A_332 = arith.constant 0 : i32
        %dma_wait3A_333 = arith.constant 0 : i32
        %dma_wait3A_334 = tpu.memref_slice %arg11[%rem3A_154, %dma_wait3A_332, %dma_wait3A_333] : memref<2x8x80xi32, #tpu.memory_space<vmem>> -> memref<1x8x80xi32, #tpu.memory_space<vmem>>
        %dma_wait3A_335 = tpu.memref_squeeze %dma_wait3A_334 : memref<1x8x80xi32, #tpu.memory_space<vmem>> -> memref<8x80xi32, #tpu.memory_space<vmem>>
        %dma_wait3A_336 = arith.constant 0 : i32
        %dma_wait3A_337 = arith.constant 0 : i32
        %dma_wait3A_338 = tpu.memref_slice %arg2[%add3A, %dma_wait3A_336, %dma_wait3A_337] : memref<32x128x80xi32, #tpu.memory_space<hbm>> -> memref<1x8x80xi32, #tpu.memory_space<hbm>>
        %dma_wait3A_339 = tpu.memref_squeeze %dma_wait3A_338 : memref<1x8x80xi32, #tpu.memory_space<hbm>> -> memref<8x80xi32, #tpu.memory_space<hbm>>
        %dma_wait3A_340 = arith.constant 0 : i32
        %dma_wait3A_341 = arith.constant 0 : i32
        %dma_wait3A_342 = tpu.memref_slice %arg11[%rem3A_154, %dma_wait3A_340, %dma_wait3A_341] : memref<2x8x80xi32, #tpu.memory_space<vmem>> -> memref<1x8x80xi32, #tpu.memory_space<vmem>>
        %dma_wait3A_343 = tpu.memref_squeeze %dma_wait3A_342 : memref<1x8x80xi32, #tpu.memory_space<vmem>> -> memref<8x80xi32, #tpu.memory_space<vmem>>
        %dma_wait3A_344 = arith.constant 0 : i32
        %dma_wait3A_345 = arith.constant 0 : i32
        %dma_wait3A_346 = tpu.memref_slice %arg2[%add3A, %dma_wait3A_344, %dma_wait3A_345] : memref<32x128x80xi32, #tpu.memory_space<hbm>> -> memref<1x8x80xi32, #tpu.memory_space<hbm>>
        %dma_wait3A_347 = tpu.memref_squeeze %dma_wait3A_346 : memref<1x8x80xi32, #tpu.memory_space<hbm>> -> memref<8x80xi32, #tpu.memory_space<hbm>>
        tpu.wait_dma2 semaphore(%arg28 : memref<!tpu.dma_semaphore, #tpu.memory_space<semaphore_mem>>) src(%dma_wait3A_347 : memref<8x80xi32, #tpu.memory_space<hbm>>) dst(%dma_wait3A_343 : memref<8x80xi32, #tpu.memory_space<vmem>>)
        %dma_wait3A_348 = arith.constant 0 : i32
        %dma_wait3A_349 = arith.constant 0 : i32
        %dma_wait3A_350 = tpu.memref_slice %arg12[%rem3A_154, %dma_wait3A_348, %dma_wait3A_349] : memref<2x8x80xi32, #tpu.memory_space<vmem>> -> memref<1x8x80xi32, #tpu.memory_space<vmem>>
        %dma_wait3A_351 = tpu.memref_squeeze %dma_wait3A_350 : memref<1x8x80xi32, #tpu.memory_space<vmem>> -> memref<8x80xi32, #tpu.memory_space<vmem>>
        %dma_wait3A_352 = arith.constant 0 : i32
        %dma_wait3A_353 = arith.constant 0 : i32
        %dma_wait3A_354 = tpu.memref_slice %arg2[%add3A, %dma_wait3A_352, %dma_wait3A_353] : memref<32x128x80xi32, #tpu.memory_space<hbm>> -> memref<1x8x80xi32, #tpu.memory_space<hbm>>
        %dma_wait3A_355 = tpu.memref_squeeze %dma_wait3A_354 : memref<1x8x80xi32, #tpu.memory_space<hbm>> -> memref<8x80xi32, #tpu.memory_space<hbm>>
        %dma_wait3A_356 = arith.constant 0 : i32
        %dma_wait3A_357 = arith.constant 0 : i32
        %dma_wait3A_358 = tpu.memref_slice %arg12[%rem3A_154, %dma_wait3A_356, %dma_wait3A_357] : memref<2x8x80xi32, #tpu.memory_space<vmem>> -> memref<1x8x80xi32, #tpu.memory_space<vmem>>
        %dma_wait3A_359 = tpu.memref_squeeze %dma_wait3A_358 : memref<1x8x80xi32, #tpu.memory_space<vmem>> -> memref<8x80xi32, #tpu.memory_space<vmem>>
        %dma_wait3A_360 = arith.constant 0 : i32
        %dma_wait3A_361 = arith.constant 0 : i32
        %dma_wait3A_362 = tpu.memref_slice %arg2[%add3A, %dma_wait3A_360, %dma_wait3A_361] : memref<32x128x80xi32, #tpu.memory_space<hbm>> -> memref<1x8x80xi32, #tpu.memory_space<hbm>>
        %dma_wait3A_363 = tpu.memref_squeeze %dma_wait3A_362 : memref<1x8x80xi32, #tpu.memory_space<hbm>> -> memref<8x80xi32, #tpu.memory_space<hbm>>
        tpu.wait_dma2 semaphore(%arg28 : memref<!tpu.dma_semaphore, #tpu.memory_space<semaphore_mem>>) src(%dma_wait3A_363 : memref<8x80xi32, #tpu.memory_space<hbm>>) dst(%dma_wait3A_359 : memref<8x80xi32, #tpu.memory_space<vmem>>)
        %dma_wait3A_364 = arith.constant 0 : i32
        %dma_wait3A_365 = arith.constant 0 : i32
        %dma_wait3A_366 = tpu.memref_slice %arg13[%rem3A_154, %dma_wait3A_364, %dma_wait3A_365] : memref<2x8x80xi32, #tpu.memory_space<vmem>> -> memref<1x8x80xi32, #tpu.memory_space<vmem>>
        %dma_wait3A_367 = tpu.memref_squeeze %dma_wait3A_366 : memref<1x8x80xi32, #tpu.memory_space<vmem>> -> memref<8x80xi32, #tpu.memory_space<vmem>>
        %dma_wait3A_368 = arith.constant 0 : i32
        %dma_wait3A_369 = arith.constant 0 : i32
        %dma_wait3A_370 = tpu.memref_slice %arg2[%add3A, %dma_wait3A_368, %dma_wait3A_369] : memref<32x128x80xi32, #tpu.memory_space<hbm>> -> memref<1x8x80xi32, #tpu.memory_space<hbm>>
        %dma_wait3A_371 = tpu.memref_squeeze %dma_wait3A_370 : memref<1x8x80xi32, #tpu.memory_space<hbm>> -> memref<8x80xi32, #tpu.memory_space<hbm>>
        %dma_wait3A_372 = arith.constant 0 : i32
        %dma_wait3A_373 = arith.constant 0 : i32
        %dma_wait3A_374 = tpu.memref_slice %arg13[%rem3A_154, %dma_wait3A_372, %dma_wait3A_373] : memref<2x8x80xi32, #tpu.memory_space<vmem>> -> memref<1x8x80xi32, #tpu.memory_space<vmem>>
        %dma_wait3A_375 = tpu.memref_squeeze %dma_wait3A_374 : memref<1x8x80xi32, #tpu.memory_space<vmem>> -> memref<8x80xi32, #tpu.memory_space<vmem>>
        %dma_wait3A_376 = arith.constant 0 : i32
        %dma_wait3A_377 = arith.constant 0 : i32
        %dma_wait3A_378 = tpu.memref_slice %arg2[%add3A, %dma_wait3A_376, %dma_wait3A_377] : memref<32x128x80xi32, #tpu.memory_space<hbm>> -> memref<1x8x80xi32, #tpu.memory_space<hbm>>
        %dma_wait3A_379 = tpu.memref_squeeze %dma_wait3A_378 : memref<1x8x80xi32, #tpu.memory_space<hbm>> -> memref<8x80xi32, #tpu.memory_space<hbm>>
        tpu.wait_dma2 semaphore(%arg28 : memref<!tpu.dma_semaphore, #tpu.memory_space<semaphore_mem>>) src(%dma_wait3A_379 : memref<8x80xi32, #tpu.memory_space<hbm>>) dst(%dma_wait3A_375 : memref<8x80xi32, #tpu.memory_space<vmem>>)
      } else {
      }
      %add3A_170 = arith.constant 1 : i32
      %add3A_171 = arith.addi %select_n3A, %add3A_170 : i32
      %lt3A_172 = arith.constant 16 : i32
      %lt3A_173 = arith.cmpi slt, %add3A_171, %lt3A_172 : i32
      %and3A_174 = arith.andi %eq3A_164, %lt3A_173 : i1
      %convert_element_type3A_175 = arith.extui %and3A_174 : i1 to i32
      %cond3A_176 = arith.constant 0 : i32
      %cond3A_177 = arith.cmpi ne, %convert_element_type3A_175, %cond3A_176 : i32
      scf.if %cond3A_177 {
        %add3A_332 = arith.constant 1 : i32
        %add3A_333 = arith.addi %select_n3A, %add3A_332 : i32
        %mul3A_334 = arith.constant 8 : i32
        %mul3A_335 = arith.muli %add3A_333, %mul3A_334 : i32
        %dma_start3A_336 = arith.constant 0 : i32
        %dma_start3A_337 = arith.constant 0 : i32
        %dma_start3A_338 = tpu.memref_slice %arg11[%sub3A_156, %dma_start3A_336, %dma_start3A_337] : memref<2x8x80xi32, #tpu.memory_space<vmem>> -> memref<1x8x80xi32, #tpu.memory_space<vmem>>
        %dma_start3A_339 = tpu.memref_squeeze %dma_start3A_338 : memref<1x8x80xi32, #tpu.memory_space<vmem>> -> memref<8x80xi32, #tpu.memory_space<vmem>>
        %dma_start3A_340 = arith.constant 0 : i32
        %dma_start3A_341 = tpu.memref_slice %arg2[%add3A, %mul3A_335, %dma_start3A_340] : memref<32x128x80xi32, #tpu.memory_space<hbm>> -> memref<1x8x80xi32, #tpu.memory_space<hbm>>
        %dma_start3A_342 = tpu.memref_squeeze %dma_start3A_341 : memref<1x8x80xi32, #tpu.memory_space<hbm>> -> memref<8x80xi32, #tpu.memory_space<hbm>>
        %dma_start3A_343 = arith.constant 0 : i32
        %dma_start3A_344 = arith.constant 0 : i32
        %dma_start3A_345 = tpu.memref_slice %arg11[%sub3A_156, %dma_start3A_343, %dma_start3A_344] : memref<2x8x80xi32, #tpu.memory_space<vmem>> -> memref<1x8x80xi32, #tpu.memory_space<vmem>>
        %dma_start3A_346 = tpu.memref_squeeze %dma_start3A_345 : memref<1x8x80xi32, #tpu.memory_space<vmem>> -> memref<8x80xi32, #tpu.memory_space<vmem>>
        %dma_start3A_347 = arith.constant 0 : i32
        %dma_start3A_348 = tpu.memref_slice %arg2[%add3A, %mul3A_335, %dma_start3A_347] : memref<32x128x80xi32, #tpu.memory_space<hbm>> -> memref<1x8x80xi32, #tpu.memory_space<hbm>>
        %dma_start3A_349 = tpu.memref_squeeze %dma_start3A_348 : memref<1x8x80xi32, #tpu.memory_space<hbm>> -> memref<8x80xi32, #tpu.memory_space<hbm>>
        tpu.enqueue_dma source(%dma_start3A_349 : memref<8x80xi32, #tpu.memory_space<hbm>>) target(%dma_start3A_346 : memref<8x80xi32, #tpu.memory_space<vmem>>) target_semaphore(%arg28 : memref<!tpu.dma_semaphore, #tpu.memory_space<semaphore_mem>>)
        %dma_start3A_350 = arith.constant 0 : i32
        %dma_start3A_351 = arith.constant 0 : i32
        %dma_start3A_352 = tpu.memref_slice %arg12[%sub3A_156, %dma_start3A_350, %dma_start3A_351] : memref<2x8x80xi32, #tpu.memory_space<vmem>> -> memref<1x8x80xi32, #tpu.memory_space<vmem>>
        %dma_start3A_353 = tpu.memref_squeeze %dma_start3A_352 : memref<1x8x80xi32, #tpu.memory_space<vmem>> -> memref<8x80xi32, #tpu.memory_space<vmem>>
        %dma_start3A_354 = arith.constant 0 : i32
        %dma_start3A_355 = tpu.memref_slice %arg3[%add3A, %mul3A_335, %dma_start3A_354] : memref<32x128x80xi32, #tpu.memory_space<hbm>> -> memref<1x8x80xi32, #tpu.memory_space<hbm>>
        %dma_start3A_356 = tpu.memref_squeeze %dma_start3A_355 : memref<1x8x80xi32, #tpu.memory_space<hbm>> -> memref<8x80xi32, #tpu.memory_space<hbm>>
        %dma_start3A_357 = arith.constant 0 : i32
        %dma_start3A_358 = arith.constant 0 : i32
        %dma_start3A_359 = tpu.memref_slice %arg12[%sub3A_156, %dma_start3A_357, %dma_start3A_358] : memref<2x8x80xi32, #tpu.memory_space<vmem>> -> memref<1x8x80xi32, #tpu.memory_space<vmem>>
        %dma_start3A_360 = tpu.memref_squeeze %dma_start3A_359 : memref<1x8x80xi32, #tpu.memory_space<vmem>> -> memref<8x80xi32, #tpu.memory_space<vmem>>
        %dma_start3A_361 = arith.constant 0 : i32
        %dma_start3A_362 = tpu.memref_slice %arg3[%add3A, %mul3A_335, %dma_start3A_361] : memref<32x128x80xi32, #tpu.memory_space<hbm>> -> memref<1x8x80xi32, #tpu.memory_space<hbm>>
        %dma_start3A_363 = tpu.memref_squeeze %dma_start3A_362 : memref<1x8x80xi32, #tpu.memory_space<hbm>> -> memref<8x80xi32, #tpu.memory_space<hbm>>
        tpu.enqueue_dma source(%dma_start3A_363 : memref<8x80xi32, #tpu.memory_space<hbm>>) target(%dma_start3A_360 : memref<8x80xi32, #tpu.memory_space<vmem>>) target_semaphore(%arg28 : memref<!tpu.dma_semaphore, #tpu.memory_space<semaphore_mem>>)
        %dma_start3A_364 = arith.constant 0 : i32
        %dma_start3A_365 = arith.constant 0 : i32
        %dma_start3A_366 = tpu.memref_slice %arg13[%sub3A_156, %dma_start3A_364, %dma_start3A_365] : memref<2x8x80xi32, #tpu.memory_space<vmem>> -> memref<1x8x80xi32, #tpu.memory_space<vmem>>
        %dma_start3A_367 = tpu.memref_squeeze %dma_start3A_366 : memref<1x8x80xi32, #tpu.memory_space<vmem>> -> memref<8x80xi32, #tpu.memory_space<vmem>>
        %dma_start3A_368 = arith.constant 0 : i32
        %dma_start3A_369 = tpu.memref_slice %arg4[%add3A, %mul3A_335, %dma_start3A_368] : memref<32x128x80xi32, #tpu.memory_space<hbm>> -> memref<1x8x80xi32, #tpu.memory_space<hbm>>
        %dma_start3A_370 = tpu.memref_squeeze %dma_start3A_369 : memref<1x8x80xi32, #tpu.memory_space<hbm>> -> memref<8x80xi32, #tpu.memory_space<hbm>>
        %dma_start3A_371 = arith.constant 0 : i32
        %dma_start3A_372 = arith.constant 0 : i32
        %dma_start3A_373 = tpu.memref_slice %arg13[%sub3A_156, %dma_start3A_371, %dma_start3A_372] : memref<2x8x80xi32, #tpu.memory_space<vmem>> -> memref<1x8x80xi32, #tpu.memory_space<vmem>>
        %dma_start3A_374 = tpu.memref_squeeze %dma_start3A_373 : memref<1x8x80xi32, #tpu.memory_space<vmem>> -> memref<8x80xi32, #tpu.memory_space<vmem>>
        %dma_start3A_375 = arith.constant 0 : i32
        %dma_start3A_376 = tpu.memref_slice %arg4[%add3A, %mul3A_335, %dma_start3A_375] : memref<32x128x80xi32, #tpu.memory_space<hbm>> -> memref<1x8x80xi32, #tpu.memory_space<hbm>>
        %dma_start3A_377 = tpu.memref_squeeze %dma_start3A_376 : memref<1x8x80xi32, #tpu.memory_space<hbm>> -> memref<8x80xi32, #tpu.memory_space<hbm>>
        tpu.enqueue_dma source(%dma_start3A_377 : memref<8x80xi32, #tpu.memory_space<hbm>>) target(%dma_start3A_374 : memref<8x80xi32, #tpu.memory_space<vmem>>) target_semaphore(%arg28 : memref<!tpu.dma_semaphore, #tpu.memory_space<semaphore_mem>>)
      } else {
      }
      %dma_start3A_178 = arith.constant 0 : i32
      %dma_start3A_179 = arith.constant 0 : i32
      %dma_start3A_180 = tpu.memref_slice %arg11[%rem3A_154, %dma_start3A_178, %dma_start3A_179] : memref<2x8x80xi32, #tpu.memory_space<vmem>> -> memref<1x8x80xi32, #tpu.memory_space<vmem>>
      %dma_start3A_181 = tpu.memref_squeeze %dma_start3A_180 : memref<1x8x80xi32, #tpu.memory_space<vmem>> -> memref<8x80xi32, #tpu.memory_space<vmem>>
      %dma_start3A_182 = arith.constant 0 : i32
      %dma_start3A_183 = tpu.memref_slice %dma_start3A_181[%mul3A_160, %dma_start3A_182] : memref<8x80xi32, #tpu.memory_space<vmem>> -> memref<1x80xi32, #tpu.memory_space<vmem>>
      %dma_start3A_184 = tpu.memref_squeeze %dma_start3A_183 : memref<1x80xi32, #tpu.memory_space<vmem>> -> memref<80xi32, #tpu.memory_space<vmem>>
      %dma_start3A_185 = arith.constant 0 : i32
      %dma_start3A_186 = arith.constant 0 : i32
      %dma_start3A_187 = tpu.memref_slice %arg5[%dma_start3A_185, %dma_start3A_186] : memref<10000x128xf32, #tpu.memory_space<hbm>> -> memref<10000x128xf32, #tpu.memory_space<hbm>>
      tpu.enqueue_indirect_dma source(%dma_start3A_187 : memref<10000x128xf32, #tpu.memory_space<hbm>>) target(%arg14 : memref<80x128xf32, #tpu.memory_space<vmem>>) offsets(%dma_start3A_184 : memref<80xi32, #tpu.memory_space<vmem>>) semaphore(%arg22 : memref<!tpu.dma_semaphore, #tpu.memory_space<semaphore_mem>>)
      %dma_start3A_188 = arith.constant 0 : i32
      %dma_start3A_189 = arith.constant 0 : i32
      %dma_start3A_190 = tpu.memref_slice %arg13[%rem3A_154, %dma_start3A_188, %dma_start3A_189] : memref<2x8x80xi32, #tpu.memory_space<vmem>> -> memref<1x8x80xi32, #tpu.memory_space<vmem>>
      %dma_start3A_191 = tpu.memref_squeeze %dma_start3A_190 : memref<1x8x80xi32, #tpu.memory_space<vmem>> -> memref<8x80xi32, #tpu.memory_space<vmem>>
      %dma_start3A_192 = arith.constant 0 : i32
      %dma_start3A_193 = tpu.memref_slice %dma_start3A_191[%mul3A_160, %dma_start3A_192] : memref<8x80xi32, #tpu.memory_space<vmem>> -> memref<1x80xi32, #tpu.memory_space<vmem>>
      %dma_start3A_194 = tpu.memref_squeeze %dma_start3A_193 : memref<1x80xi32, #tpu.memory_space<vmem>> -> memref<80xi32, #tpu.memory_space<vmem>>
      %dma_start3A_195 = arith.constant 0 : i32
      %dma_start3A_196 = arith.constant 0 : i32
      %dma_start3A_197 = tpu.memref_slice %arg21[%dma_start3A_195, %dma_start3A_196] : memref<104x128xf32, #tpu.memory_space<vmem_shared>> -> memref<104x128xf32, #tpu.memory_space<vmem_shared>>
      tpu.enqueue_indirect_dma source(%dma_start3A_197 : memref<104x128xf32, #tpu.memory_space<vmem_shared>>) target(%arg16 : memref<80x128xf32, #tpu.memory_space<vmem>>) offsets(%dma_start3A_194 : memref<80xi32, #tpu.memory_space<vmem>>) semaphore(%arg24 : memref<!tpu.dma_semaphore, #tpu.memory_space<semaphore_mem>>)
      %gt3A_198 = arith.constant 0 : i32
      %gt3A_199 = arith.cmpi sgt, %scan3A_136, %gt3A_198 : i32
      %convert_element_type3A_200 = arith.extui %gt3A_199 : i1 to i32
      %cond3A_201 = arith.constant 0 : i32
      %cond3A_202 = arith.cmpi ne, %convert_element_type3A_200, %cond3A_201 : i32
      scf.if %cond3A_202 {
        %dma_wait3A_332 = arith.constant 0 : i32
        %dma_wait3A_333 = arith.constant 0 : i32
        %dma_wait3A_334 = tpu.memref_slice %arg19[%dma_wait3A_332, %dma_wait3A_333] : memref<10000x128xf32, #tpu.memory_space<vmem_shared>> -> memref<80x128xf32, #tpu.memory_space<vmem_shared>>
        %dma_wait3A_335 = arith.constant 0 : i32
        %dma_wait3A_336 = arith.constant 0 : i32
        %dma_wait3A_337 = tpu.memref_slice %arg19[%dma_wait3A_335, %dma_wait3A_336] : memref<10000x128xf32, #tpu.memory_space<vmem_shared>> -> memref<80x128xf32, #tpu.memory_space<vmem_shared>>
        tpu.wait_dma2 semaphore(%arg26 : memref<!tpu.dma_semaphore, #tpu.memory_space<semaphore_mem>>) src(%arg15 : memref<80x128xf32, #tpu.memory_space<vmem>>) dst(%dma_wait3A_337 : memref<80x128xf32, #tpu.memory_space<vmem_shared>>)
        %dma_wait3A_338 = arith.constant 0 : i32
        %dma_wait3A_339 = tpu.memref_slice %arg20[%dma_wait3A_338] : memref<10000xf32, #tpu.memory_space<vmem_shared>> -> memref<80xf32, #tpu.memory_space<vmem_shared>>
        %dma_wait3A_340 = arith.constant 0 : i32
        %dma_wait3A_341 = tpu.memref_slice %arg20[%dma_wait3A_340] : memref<10000xf32, #tpu.memory_space<vmem_shared>> -> memref<80xf32, #tpu.memory_space<vmem_shared>>
        tpu.wait_dma2 semaphore(%arg27 : memref<!tpu.dma_semaphore, #tpu.memory_space<semaphore_mem>>) src(%arg18 : memref<80xf32, #tpu.memory_space<vmem>>) dst(%dma_wait3A_341 : memref<80xf32, #tpu.memory_space<vmem_shared>>)
      } else {
      }
      %dma_start3A_203 = arith.constant 0 : i32
      %dma_start3A_204 = arith.constant 0 : i32
      %dma_start3A_205 = tpu.memref_slice %arg11[%rem3A_154, %dma_start3A_203, %dma_start3A_204] : memref<2x8x80xi32, #tpu.memory_space<vmem>> -> memref<1x8x80xi32, #tpu.memory_space<vmem>>
      %dma_start3A_206 = tpu.memref_squeeze %dma_start3A_205 : memref<1x8x80xi32, #tpu.memory_space<vmem>> -> memref<8x80xi32, #tpu.memory_space<vmem>>
      %dma_start3A_207 = arith.constant 0 : i32
      %dma_start3A_208 = tpu.memref_slice %dma_start3A_206[%add3A_162, %dma_start3A_207] : memref<8x80xi32, #tpu.memory_space<vmem>> -> memref<1x80xi32, #tpu.memory_space<vmem>>
      %dma_start3A_209 = tpu.memref_squeeze %dma_start3A_208 : memref<1x80xi32, #tpu.memory_space<vmem>> -> memref<80xi32, #tpu.memory_space<vmem>>
      %dma_start3A_210 = arith.constant 0 : i32
      %dma_start3A_211 = arith.constant 0 : i32
      %dma_start3A_212 = tpu.memref_slice %arg5[%dma_start3A_210, %dma_start3A_211] : memref<10000x128xf32, #tpu.memory_space<hbm>> -> memref<10000x128xf32, #tpu.memory_space<hbm>>
      tpu.enqueue_indirect_dma source(%dma_start3A_212 : memref<10000x128xf32, #tpu.memory_space<hbm>>) target(%arg15 : memref<80x128xf32, #tpu.memory_space<vmem>>) offsets(%dma_start3A_209 : memref<80xi32, #tpu.memory_space<vmem>>) semaphore(%arg23 : memref<!tpu.dma_semaphore, #tpu.memory_space<semaphore_mem>>)
      %dma_start3A_213 = arith.constant 0 : i32
      %dma_start3A_214 = arith.constant 0 : i32
      %dma_start3A_215 = tpu.memref_slice %arg13[%rem3A_154, %dma_start3A_213, %dma_start3A_214] : memref<2x8x80xi32, #tpu.memory_space<vmem>> -> memref<1x8x80xi32, #tpu.memory_space<vmem>>
      %dma_start3A_216 = tpu.memref_squeeze %dma_start3A_215 : memref<1x8x80xi32, #tpu.memory_space<vmem>> -> memref<8x80xi32, #tpu.memory_space<vmem>>
      %dma_start3A_217 = arith.constant 0 : i32
      %dma_start3A_218 = tpu.memref_slice %dma_start3A_216[%add3A_162, %dma_start3A_217] : memref<8x80xi32, #tpu.memory_space<vmem>> -> memref<1x80xi32, #tpu.memory_space<vmem>>
      %dma_start3A_219 = tpu.memref_squeeze %dma_start3A_218 : memref<1x80xi32, #tpu.memory_space<vmem>> -> memref<80xi32, #tpu.memory_space<vmem>>
      %dma_start3A_220 = arith.constant 0 : i32
      %dma_start3A_221 = arith.constant 0 : i32
      %dma_start3A_222 = tpu.memref_slice %arg21[%dma_start3A_220, %dma_start3A_221] : memref<104x128xf32, #tpu.memory_space<vmem_shared>> -> memref<104x128xf32, #tpu.memory_space<vmem_shared>>
      tpu.enqueue_indirect_dma source(%dma_start3A_222 : memref<104x128xf32, #tpu.memory_space<vmem_shared>>) target(%arg17 : memref<80x128xf32, #tpu.memory_space<vmem>>) offsets(%dma_start3A_219 : memref<80xi32, #tpu.memory_space<vmem>>) semaphore(%arg25 : memref<!tpu.dma_semaphore, #tpu.memory_space<semaphore_mem>>)
      %dma_wait3A_223 = arith.constant 0 : i32
      %dma_wait3A_224 = arith.constant 0 : i32
      %dma_wait3A_225 = tpu.memref_slice %arg11[%rem3A_154, %dma_wait3A_223, %dma_wait3A_224] : memref<2x8x80xi32, #tpu.memory_space<vmem>> -> memref<1x8x80xi32, #tpu.memory_space<vmem>>
      %dma_wait3A_226 = tpu.memref_squeeze %dma_wait3A_225 : memref<1x8x80xi32, #tpu.memory_space<vmem>> -> memref<8x80xi32, #tpu.memory_space<vmem>>
      %dma_wait3A_227 = arith.constant 0 : i32
      %dma_wait3A_228 = tpu.memref_slice %dma_wait3A_226[%mul3A_160, %dma_wait3A_227] : memref<8x80xi32, #tpu.memory_space<vmem>> -> memref<1x80xi32, #tpu.memory_space<vmem>>
      %dma_wait3A_229 = tpu.memref_squeeze %dma_wait3A_228 : memref<1x80xi32, #tpu.memory_space<vmem>> -> memref<80xi32, #tpu.memory_space<vmem>>
      %dma_wait3A_230 = arith.constant 0 : i32
      %dma_wait3A_231 = arith.constant 0 : i32
      %dma_wait3A_232 = tpu.memref_slice %arg5[%dma_wait3A_230, %dma_wait3A_231] : memref<10000x128xf32, #tpu.memory_space<hbm>> -> memref<10000x128xf32, #tpu.memory_space<hbm>>
      tpu.wait_indirect_dma semaphore(%arg22 : memref<!tpu.dma_semaphore, #tpu.memory_space<semaphore_mem>>) src(%dma_wait3A_232 : memref<10000x128xf32, #tpu.memory_space<hbm>>) dst(%arg14 : memref<80x128xf32, #tpu.memory_space<vmem>>)
      %dma_wait3A_233 = arith.constant 0 : i32
      %dma_wait3A_234 = arith.constant 0 : i32
      %dma_wait3A_235 = tpu.memref_slice %arg13[%rem3A_154, %dma_wait3A_233, %dma_wait3A_234] : memref<2x8x80xi32, #tpu.memory_space<vmem>> -> memref<1x8x80xi32, #tpu.memory_space<vmem>>
      %dma_wait3A_236 = tpu.memref_squeeze %dma_wait3A_235 : memref<1x8x80xi32, #tpu.memory_space<vmem>> -> memref<8x80xi32, #tpu.memory_space<vmem>>
      %dma_wait3A_237 = arith.constant 0 : i32
      %dma_wait3A_238 = tpu.memref_slice %dma_wait3A_236[%mul3A_160, %dma_wait3A_237] : memref<8x80xi32, #tpu.memory_space<vmem>> -> memref<1x80xi32, #tpu.memory_space<vmem>>
      %dma_wait3A_239 = tpu.memref_squeeze %dma_wait3A_238 : memref<1x80xi32, #tpu.memory_space<vmem>> -> memref<80xi32, #tpu.memory_space<vmem>>
      %dma_wait3A_240 = arith.constant 0 : i32
      %dma_wait3A_241 = arith.constant 0 : i32
      %dma_wait3A_242 = tpu.memref_slice %arg21[%dma_wait3A_240, %dma_wait3A_241] : memref<104x128xf32, #tpu.memory_space<vmem_shared>> -> memref<104x128xf32, #tpu.memory_space<vmem_shared>>
      tpu.wait_indirect_dma semaphore(%arg24 : memref<!tpu.dma_semaphore, #tpu.memory_space<semaphore_mem>>) src(%dma_wait3A_242 : memref<104x128xf32, #tpu.memory_space<vmem_shared>>) dst(%arg16 : memref<80x128xf32, #tpu.memory_space<vmem>>)
      %scan3A_243 = arith.constant 0 : i32
      %scan3A_244 = arith.constant 0 : i32
      %scan3A_245 = arith.constant 80 : i32
      %scan3A_246 = arith.addi %scan3A_244, %scan3A_245 : i32
      %scan3A_247 = arith.constant 1 : i32
      scf.for %scan3A_332 = %scan3A_244 to %scan3A_246 step %scan3A_247  : i32 {
        %get3A = arith.index_cast %scan3A_332 : i32 to index
        %get3A_333 = arith.constant 0 : index
        %get3A_334 = tpu.vector_load %arg14[%get3A, %get3A_333] {strides = array<i32>} : memref<80x128xf32, #tpu.memory_space<vmem>>, vector<1x16xf32>,
        %get3A_335 = vector.shape_cast %get3A_334 : vector<1x16xf32> to vector<16xf32>
        %get3A_336 = arith.index_cast %scan3A_332 : i32 to index
        %get3A_337 = arith.constant 0 : index
        %get3A_338 = tpu.vector_load %arg16[%get3A_336, %get3A_337] {strides = array<i32>} : memref<80x128xf32, #tpu.memory_space<vmem>>, vector<1x16xf32>,
        %get3A_339 = vector.shape_cast %get3A_338 : vector<1x16xf32> to vector<16xf32>
        %mul3A_340 = arith.mulf %get3A_335, %get3A_339 : vector<16xf32>
        %swap3A_341 = arith.index_cast %scan3A_332 : i32 to index
        %swap3A_342 = arith.constant 0 : index
        %swap3A_343 = tpu.vector_load %arg14[%swap3A_341, %swap3A_342] {strides = array<i32>} : memref<80x128xf32, #tpu.memory_space<vmem>>, vector<1x16xf32>,
        %swap3A_344 = vector.shape_cast %swap3A_343 : vector<1x16xf32> to vector<16xf32>
        %swap3A_345 = vector.shape_cast %mul3A_340 : vector<16xf32> to vector<1x16xf32>
        tpu.vector_store %arg14[%swap3A_341, %swap3A_342], %swap3A_345 {strides = array<i32>} : memref<80x128xf32, #tpu.memory_space<vmem>>, vector<1x16xf32>,
        %get3A_346 = arith.index_cast %scan3A_332 : i32 to index
        %get3A_347 = arith.constant 16 : index
        %get3A_348 = tpu.vector_load %arg14[%get3A_346, %get3A_347] {strides = array<i32>} : memref<80x128xf32, #tpu.memory_space<vmem>>, vector<1x16xf32>,
        %get3A_349 = vector.shape_cast %get3A_348 : vector<1x16xf32> to vector<16xf32>
        %get3A_350 = arith.index_cast %scan3A_332 : i32 to index
        %get3A_351 = arith.constant 16 : index
        %get3A_352 = tpu.vector_load %arg16[%get3A_350, %get3A_351] {strides = array<i32>} : memref<80x128xf32, #tpu.memory_space<vmem>>, vector<1x16xf32>,
        %get3A_353 = vector.shape_cast %get3A_352 : vector<1x16xf32> to vector<16xf32>
        %mul3A_354 = arith.mulf %get3A_349, %get3A_353 : vector<16xf32>
        %swap3A_355 = arith.index_cast %scan3A_332 : i32 to index
        %swap3A_356 = arith.constant 16 : index
        %swap3A_357 = tpu.vector_load %arg14[%swap3A_355, %swap3A_356] {strides = array<i32>} : memref<80x128xf32, #tpu.memory_space<vmem>>, vector<1x16xf32>,
        %swap3A_358 = vector.shape_cast %swap3A_357 : vector<1x16xf32> to vector<16xf32>
        %swap3A_359 = vector.shape_cast %mul3A_354 : vector<16xf32> to vector<1x16xf32>
        tpu.vector_store %arg14[%swap3A_355, %swap3A_356], %swap3A_359 {strides = array<i32>} : memref<80x128xf32, #tpu.memory_space<vmem>>, vector<1x16xf32>,
        %get3A_360 = arith.index_cast %scan3A_332 : i32 to index
        %get3A_361 = arith.constant 32 : index
        %get3A_362 = tpu.vector_load %arg14[%get3A_360, %get3A_361] {strides = array<i32>} : memref<80x128xf32, #tpu.memory_space<vmem>>, vector<1x16xf32>,
        %get3A_363 = vector.shape_cast %get3A_362 : vector<1x16xf32> to vector<16xf32>
        %get3A_364 = arith.index_cast %scan3A_332 : i32 to index
        %get3A_365 = arith.constant 32 : index
        %get3A_366 = tpu.vector_load %arg16[%get3A_364, %get3A_365] {strides = array<i32>} : memref<80x128xf32, #tpu.memory_space<vmem>>, vector<1x16xf32>,
        %get3A_367 = vector.shape_cast %get3A_366 : vector<1x16xf32> to vector<16xf32>
        %mul3A_368 = arith.mulf %get3A_363, %get3A_367 : vector<16xf32>
        %swap3A_369 = arith.index_cast %scan3A_332 : i32 to index
        %swap3A_370 = arith.constant 32 : index
        %swap3A_371 = tpu.vector_load %arg14[%swap3A_369, %swap3A_370] {strides = array<i32>} : memref<80x128xf32, #tpu.memory_space<vmem>>, vector<1x16xf32>,
        %swap3A_372 = vector.shape_cast %swap3A_371 : vector<1x16xf32> to vector<16xf32>
        %swap3A_373 = vector.shape_cast %mul3A_368 : vector<16xf32> to vector<1x16xf32>
        tpu.vector_store %arg14[%swap3A_369, %swap3A_370], %swap3A_373 {strides = array<i32>} : memref<80x128xf32, #tpu.memory_space<vmem>>, vector<1x16xf32>,
        %get3A_374 = arith.index_cast %scan3A_332 : i32 to index
        %get3A_375 = arith.constant 48 : index
        %get3A_376 = tpu.vector_load %arg14[%get3A_374, %get3A_375] {strides = array<i32>} : memref<80x128xf32, #tpu.memory_space<vmem>>, vector<1x16xf32>,
        %get3A_377 = vector.shape_cast %get3A_376 : vector<1x16xf32> to vector<16xf32>
        %get3A_378 = arith.index_cast %scan3A_332 : i32 to index
        %get3A_379 = arith.constant 48 : index
        %get3A_380 = tpu.vector_load %arg16[%get3A_378, %get3A_379] {strides = array<i32>} : memref<80x128xf32, #tpu.memory_space<vmem>>, vector<1x16xf32>,
        %get3A_381 = vector.shape_cast %get3A_380 : vector<1x16xf32> to vector<16xf32>
        %mul3A_382 = arith.mulf %get3A_377, %get3A_381 : vector<16xf32>
        %swap3A_383 = arith.index_cast %scan3A_332 : i32 to index
        %swap3A_384 = arith.constant 48 : index
        %swap3A_385 = tpu.vector_load %arg14[%swap3A_383, %swap3A_384] {strides = array<i32>} : memref<80x128xf32, #tpu.memory_space<vmem>>, vector<1x16xf32>,
        %swap3A_386 = vector.shape_cast %swap3A_385 : vector<1x16xf32> to vector<16xf32>
        %swap3A_387 = vector.shape_cast %mul3A_382 : vector<16xf32> to vector<1x16xf32>
        tpu.vector_store %arg14[%swap3A_383, %swap3A_384], %swap3A_387 {strides = array<i32>} : memref<80x128xf32, #tpu.memory_space<vmem>>, vector<1x16xf32>,
        %get3A_388 = arith.index_cast %scan3A_332 : i32 to index
        %get3A_389 = arith.constant 64 : index
        %get3A_390 = tpu.vector_load %arg14[%get3A_388, %get3A_389] {strides = array<i32>} : memref<80x128xf32, #tpu.memory_space<vmem>>, vector<1x16xf32>,
        %get3A_391 = vector.shape_cast %get3A_390 : vector<1x16xf32> to vector<16xf32>
        %get3A_392 = arith.index_cast %scan3A_332 : i32 to index
        %get3A_393 = arith.constant 64 : index
        %get3A_394 = tpu.vector_load %arg16[%get3A_392, %get3A_393] {strides = array<i32>} : memref<80x128xf32, #tpu.memory_space<vmem>>, vector<1x16xf32>,
        %get3A_395 = vector.shape_cast %get3A_394 : vector<1x16xf32> to vector<16xf32>
        %mul3A_396 = arith.mulf %get3A_391, %get3A_395 : vector<16xf32>
        %swap3A_397 = arith.index_cast %scan3A_332 : i32 to index
        %swap3A_398 = arith.constant 64 : index
        %swap3A_399 = tpu.vector_load %arg14[%swap3A_397, %swap3A_398] {strides = array<i32>} : memref<80x128xf32, #tpu.memory_space<vmem>>, vector<1x16xf32>,
        %swap3A_400 = vector.shape_cast %swap3A_399 : vector<1x16xf32> to vector<16xf32>
        %swap3A_401 = vector.shape_cast %mul3A_396 : vector<16xf32> to vector<1x16xf32>
        tpu.vector_store %arg14[%swap3A_397, %swap3A_398], %swap3A_401 {strides = array<i32>} : memref<80x128xf32, #tpu.memory_space<vmem>>, vector<1x16xf32>,
        %get3A_402 = arith.index_cast %scan3A_332 : i32 to index
        %get3A_403 = arith.constant 80 : index
        %get3A_404 = tpu.vector_load %arg14[%get3A_402, %get3A_403] {strides = array<i32>} : memref<80x128xf32, #tpu.memory_space<vmem>>, vector<1x16xf32>,
        %get3A_405 = vector.shape_cast %get3A_404 : vector<1x16xf32> to vector<16xf32>
        %get3A_406 = arith.index_cast %scan3A_332 : i32 to index
        %get3A_407 = arith.constant 80 : index
        %get3A_408 = tpu.vector_load %arg16[%get3A_406, %get3A_407] {strides = array<i32>} : memref<80x128xf32, #tpu.memory_space<vmem>>, vector<1x16xf32>,
        %get3A_409 = vector.shape_cast %get3A_408 : vector<1x16xf32> to vector<16xf32>
        %mul3A_410 = arith.mulf %get3A_405, %get3A_409 : vector<16xf32>
        %swap3A_411 = arith.index_cast %scan3A_332 : i32 to index
        %swap3A_412 = arith.constant 80 : index
        %swap3A_413 = tpu.vector_load %arg14[%swap3A_411, %swap3A_412] {strides = array<i32>} : memref<80x128xf32, #tpu.memory_space<vmem>>, vector<1x16xf32>,
        %swap3A_414 = vector.shape_cast %swap3A_413 : vector<1x16xf32> to vector<16xf32>
        %swap3A_415 = vector.shape_cast %mul3A_410 : vector<16xf32> to vector<1x16xf32>
        tpu.vector_store %arg14[%swap3A_411, %swap3A_412], %swap3A_415 {strides = array<i32>} : memref<80x128xf32, #tpu.memory_space<vmem>>, vector<1x16xf32>,
        %get3A_416 = arith.index_cast %scan3A_332 : i32 to index
        %get3A_417 = arith.constant 96 : index
        %get3A_418 = tpu.vector_load %arg14[%get3A_416, %get3A_417] {strides = array<i32>} : memref<80x128xf32, #tpu.memory_space<vmem>>, vector<1x16xf32>,
        %get3A_419 = vector.shape_cast %get3A_418 : vector<1x16xf32> to vector<16xf32>
        %get3A_420 = arith.index_cast %scan3A_332 : i32 to index
        %get3A_421 = arith.constant 96 : index
        %get3A_422 = tpu.vector_load %arg16[%get3A_420, %get3A_421] {strides = array<i32>} : memref<80x128xf32, #tpu.memory_space<vmem>>, vector<1x16xf32>,
        %get3A_423 = vector.shape_cast %get3A_422 : vector<1x16xf32> to vector<16xf32>
        %mul3A_424 = arith.mulf %get3A_419, %get3A_423 : vector<16xf32>
        %swap3A_425 = arith.index_cast %scan3A_332 : i32 to index
        %swap3A_426 = arith.constant 96 : index
        %swap3A_427 = tpu.vector_load %arg14[%swap3A_425, %swap3A_426] {strides = array<i32>} : memref<80x128xf32, #tpu.memory_space<vmem>>, vector<1x16xf32>,
        %swap3A_428 = vector.shape_cast %swap3A_427 : vector<1x16xf32> to vector<16xf32>
        %swap3A_429 = vector.shape_cast %mul3A_424 : vector<16xf32> to vector<1x16xf32>
        tpu.vector_store %arg14[%swap3A_425, %swap3A_426], %swap3A_429 {strides = array<i32>} : memref<80x128xf32, #tpu.memory_space<vmem>>, vector<1x16xf32>,
        %get3A_430 = arith.index_cast %scan3A_332 : i32 to index
        %get3A_431 = arith.constant 112 : index
        %get3A_432 = tpu.vector_load %arg14[%get3A_430, %get3A_431] {strides = array<i32>} : memref<80x128xf32, #tpu.memory_space<vmem>>, vector<1x16xf32>,
        %get3A_433 = vector.shape_cast %get3A_432 : vector<1x16xf32> to vector<16xf32>
        %get3A_434 = arith.index_cast %scan3A_332 : i32 to index
        %get3A_435 = arith.constant 112 : index
        %get3A_436 = tpu.vector_load %arg16[%get3A_434, %get3A_435] {strides = array<i32>} : memref<80x128xf32, #tpu.memory_space<vmem>>, vector<1x16xf32>,
        %get3A_437 = vector.shape_cast %get3A_436 : vector<1x16xf32> to vector<16xf32>
        %mul3A_438 = arith.mulf %get3A_433, %get3A_437 : vector<16xf32>
        %swap3A_439 = arith.index_cast %scan3A_332 : i32 to index
        %swap3A_440 = arith.constant 112 : index
        %swap3A_441 = tpu.vector_load %arg14[%swap3A_439, %swap3A_440] {strides = array<i32>} : memref<80x128xf32, #tpu.memory_space<vmem>>, vector<1x16xf32>,
        %swap3A_442 = vector.shape_cast %swap3A_441 : vector<1x16xf32> to vector<16xf32>
        %swap3A_443 = vector.shape_cast %mul3A_438 : vector<16xf32> to vector<1x16xf32>
        tpu.vector_store %arg14[%swap3A_439, %swap3A_440], %swap3A_443 {strides = array<i32>} : memref<80x128xf32, #tpu.memory_space<vmem>>, vector<1x16xf32>,
      }
      %scan3A_248 = arith.constant 80 : i32
      %dma_start3A_249 = arith.constant 0 : i32
      %dma_start3A_250 = arith.constant 0 : i32
      %dma_start3A_251 = tpu.memref_slice %arg12[%rem3A_154, %dma_start3A_249, %dma_start3A_250] : memref<2x8x80xi32, #tpu.memory_space<vmem>> -> memref<1x8x80xi32, #tpu.memory_space<vmem>>
      %dma_start3A_252 = tpu.memref_squeeze %dma_start3A_251 : memref<1x8x80xi32, #tpu.memory_space<vmem>> -> memref<8x80xi32, #tpu.memory_space<vmem>>
      %dma_start3A_253 = arith.constant 0 : i32
      %dma_start3A_254 = tpu.memref_slice %dma_start3A_252[%mul3A_160, %dma_start3A_253] : memref<8x80xi32, #tpu.memory_space<vmem>> -> memref<1x80xi32, #tpu.memory_space<vmem>>
      %dma_start3A_255 = tpu.memref_squeeze %dma_start3A_254 : memref<1x80xi32, #tpu.memory_space<vmem>> -> memref<80xi32, #tpu.memory_space<vmem>>
      %dma_start3A_256 = arith.constant 0 : i32
      %dma_start3A_257 = arith.constant 0 : i32
      %dma_start3A_258 = tpu.memref_slice %arg19[%dma_start3A_256, %dma_start3A_257] : memref<10000x128xf32, #tpu.memory_space<vmem_shared>> -> memref<10000x128xf32, #tpu.memory_space<vmem_shared>>
      tpu.enqueue_indirect_dma source(%arg14 : memref<80x128xf32, #tpu.memory_space<vmem>>) target(%dma_start3A_258 : memref<10000x128xf32, #tpu.memory_space<vmem_shared>>) offsets(%dma_start3A_255 : memref<80xi32, #tpu.memory_space<vmem>>) semaphore(%arg26 : memref<!tpu.dma_semaphore, #tpu.memory_space<semaphore_mem>>) {add = true}
      %dma_start3A_259 = arith.constant 0 : i32
      %dma_start3A_260 = arith.constant 0 : i32
      %dma_start3A_261 = tpu.memref_slice %arg12[%rem3A_154, %dma_start3A_259, %dma_start3A_260] : memref<2x8x80xi32, #tpu.memory_space<vmem>> -> memref<1x8x80xi32, #tpu.memory_space<vmem>>
      %dma_start3A_262 = tpu.memref_squeeze %dma_start3A_261 : memref<1x8x80xi32, #tpu.memory_space<vmem>> -> memref<8x80xi32, #tpu.memory_space<vmem>>
      %dma_start3A_263 = arith.constant 0 : i32
      %dma_start3A_264 = tpu.memref_slice %dma_start3A_262[%mul3A_160, %dma_start3A_263] : memref<8x80xi32, #tpu.memory_space<vmem>> -> memref<1x80xi32, #tpu.memory_space<vmem>>
      %dma_start3A_265 = tpu.memref_squeeze %dma_start3A_264 : memref<1x80xi32, #tpu.memory_space<vmem>> -> memref<80xi32, #tpu.memory_space<vmem>>
      %dma_start3A_266 = arith.constant 0 : i32
      %dma_start3A_267 = tpu.memref_slice %arg20[%dma_start3A_266] : memref<10000xf32, #tpu.memory_space<vmem_shared>> -> memref<10000xf32, #tpu.memory_space<vmem_shared>>
      tpu.enqueue_indirect_dma source(%arg18 : memref<80xf32, #tpu.memory_space<vmem>>) target(%dma_start3A_267 : memref<10000xf32, #tpu.memory_space<vmem_shared>>) offsets(%dma_start3A_265 : memref<80xi32, #tpu.memory_space<vmem>>) semaphore(%arg27 : memref<!tpu.dma_semaphore, #tpu.memory_space<semaphore_mem>>) {add = true}
      %dma_wait3A_268 = arith.constant 0 : i32
      %dma_wait3A_269 = arith.constant 0 : i32
      %dma_wait3A_270 = tpu.memref_slice %arg11[%rem3A_154, %dma_wait3A_268, %dma_wait3A_269] : memref<2x8x80xi32, #tpu.memory_space<vmem>> -> memref<1x8x80xi32, #tpu.memory_space<vmem>>
      %dma_wait3A_271 = tpu.memref_squeeze %dma_wait3A_270 : memref<1x8x80xi32, #tpu.memory_space<vmem>> -> memref<8x80xi32, #tpu.memory_space<vmem>>
      %dma_wait3A_272 = arith.constant 0 : i32
      %dma_wait3A_273 = tpu.memref_slice %dma_wait3A_271[%add3A_162, %dma_wait3A_272] : memref<8x80xi32, #tpu.memory_space<vmem>> -> memref<1x80xi32, #tpu.memory_space<vmem>>
      %dma_wait3A_274 = tpu.memref_squeeze %dma_wait3A_273 : memref<1x80xi32, #tpu.memory_space<vmem>> -> memref<80xi32, #tpu.memory_space<vmem>>
      %dma_wait3A_275 = arith.constant 0 : i32
      %dma_wait3A_276 = arith.constant 0 : i32
      %dma_wait3A_277 = tpu.memref_slice %arg5[%dma_wait3A_275, %dma_wait3A_276] : memref<10000x128xf32, #tpu.memory_space<hbm>> -> memref<10000x128xf32, #tpu.memory_space<hbm>>
      tpu.wait_indirect_dma semaphore(%arg23 : memref<!tpu.dma_semaphore, #tpu.memory_space<semaphore_mem>>) src(%dma_wait3A_277 : memref<10000x128xf32, #tpu.memory_space<hbm>>) dst(%arg15 : memref<80x128xf32, #tpu.memory_space<vmem>>)
      %dma_wait3A_278 = arith.constant 0 : i32
      %dma_wait3A_279 = arith.constant 0 : i32
      %dma_wait3A_280 = tpu.memref_slice %arg13[%rem3A_154, %dma_wait3A_278, %dma_wait3A_279] : memref<2x8x80xi32, #tpu.memory_space<vmem>> -> memref<1x8x80xi32, #tpu.memory_space<vmem>>
      %dma_wait3A_281 = tpu.memref_squeeze %dma_wait3A_280 : memref<1x8x80xi32, #tpu.memory_space<vmem>> -> memref<8x80xi32, #tpu.memory_space<vmem>>
      %dma_wait3A_282 = arith.constant 0 : i32
      %dma_wait3A_283 = tpu.memref_slice %dma_wait3A_281[%add3A_162, %dma_wait3A_282] : memref<8x80xi32, #tpu.memory_space<vmem>> -> memref<1x80xi32, #tpu.memory_space<vmem>>
      %dma_wait3A_284 = tpu.memref_squeeze %dma_wait3A_283 : memref<1x80xi32, #tpu.memory_space<vmem>> -> memref<80xi32, #tpu.memory_space<vmem>>
      %dma_wait3A_285 = arith.constant 0 : i32
      %dma_wait3A_286 = arith.constant 0 : i32
      %dma_wait3A_287 = tpu.memref_slice %arg21[%dma_wait3A_285, %dma_wait3A_286] : memref<104x128xf32, #tpu.memory_space<vmem_shared>> -> memref<104x128xf32, #tpu.memory_space<vmem_shared>>
      tpu.wait_indirect_dma semaphore(%arg25 : memref<!tpu.dma_semaphore, #tpu.memory_space<semaphore_mem>>) src(%dma_wait3A_287 : memref<104x128xf32, #tpu.memory_space<vmem_shared>>) dst(%arg17 : memref<80x128xf32, #tpu.memory_space<vmem>>)
      %scan3A_288 = arith.constant 0 : i32
      %scan3A_289 = arith.constant 0 : i32
      %scan3A_290 = arith.constant 80 : i32
      %scan3A_291 = arith.addi %scan3A_289, %scan3A_290 : i32
      %scan3A_292 = arith.constant 1 : i32
      scf.for %scan3A_332 = %scan3A_289 to %scan3A_291 step %scan3A_292  : i32 {
        %get3A = arith.index_cast %scan3A_332 : i32 to index
        %get3A_333 = arith.constant 0 : index
        %get3A_334 = tpu.vector_load %arg15[%get3A, %get3A_333] {strides = array<i32>} : memref<80x128xf32, #tpu.memory_space<vmem>>, vector<1x16xf32>,
        %get3A_335 = vector.shape_cast %get3A_334 : vector<1x16xf32> to vector<16xf32>
        %get3A_336 = arith.index_cast %scan3A_332 : i32 to index
        %get3A_337 = arith.constant 0 : index
        %get3A_338 = tpu.vector_load %arg17[%get3A_336, %get3A_337] {strides = array<i32>} : memref<80x128xf32, #tpu.memory_space<vmem>>, vector<1x16xf32>,
        %get3A_339 = vector.shape_cast %get3A_338 : vector<1x16xf32> to vector<16xf32>
        %mul3A_340 = arith.mulf %get3A_335, %get3A_339 : vector<16xf32>
        %swap3A_341 = arith.index_cast %scan3A_332 : i32 to index
        %swap3A_342 = arith.constant 0 : index
        %swap3A_343 = tpu.vector_load %arg15[%swap3A_341, %swap3A_342] {strides = array<i32>} : memref<80x128xf32, #tpu.memory_space<vmem>>, vector<1x16xf32>,
        %swap3A_344 = vector.shape_cast %swap3A_343 : vector<1x16xf32> to vector<16xf32>
        %swap3A_345 = vector.shape_cast %mul3A_340 : vector<16xf32> to vector<1x16xf32>
        tpu.vector_store %arg15[%swap3A_341, %swap3A_342], %swap3A_345 {strides = array<i32>} : memref<80x128xf32, #tpu.memory_space<vmem>>, vector<1x16xf32>,
        %get3A_346 = arith.index_cast %scan3A_332 : i32 to index
        %get3A_347 = arith.constant 16 : index
        %get3A_348 = tpu.vector_load %arg15[%get3A_346, %get3A_347] {strides = array<i32>} : memref<80x128xf32, #tpu.memory_space<vmem>>, vector<1x16xf32>,
        %get3A_349 = vector.shape_cast %get3A_348 : vector<1x16xf32> to vector<16xf32>
        %get3A_350 = arith.index_cast %scan3A_332 : i32 to index
        %get3A_351 = arith.constant 16 : index
        %get3A_352 = tpu.vector_load %arg17[%get3A_350, %get3A_351] {strides = array<i32>} : memref<80x128xf32, #tpu.memory_space<vmem>>, vector<1x16xf32>,
        %get3A_353 = vector.shape_cast %get3A_352 : vector<1x16xf32> to vector<16xf32>
        %mul3A_354 = arith.mulf %get3A_349, %get3A_353 : vector<16xf32>
        %swap3A_355 = arith.index_cast %scan3A_332 : i32 to index
        %swap3A_356 = arith.constant 16 : index
        %swap3A_357 = tpu.vector_load %arg15[%swap3A_355, %swap3A_356] {strides = array<i32>} : memref<80x128xf32, #tpu.memory_space<vmem>>, vector<1x16xf32>,
        %swap3A_358 = vector.shape_cast %swap3A_357 : vector<1x16xf32> to vector<16xf32>
        %swap3A_359 = vector.shape_cast %mul3A_354 : vector<16xf32> to vector<1x16xf32>
        tpu.vector_store %arg15[%swap3A_355, %swap3A_356], %swap3A_359 {strides = array<i32>} : memref<80x128xf32, #tpu.memory_space<vmem>>, vector<1x16xf32>,
        %get3A_360 = arith.index_cast %scan3A_332 : i32 to index
        %get3A_361 = arith.constant 32 : index
        %get3A_362 = tpu.vector_load %arg15[%get3A_360, %get3A_361] {strides = array<i32>} : memref<80x128xf32, #tpu.memory_space<vmem>>, vector<1x16xf32>,
        %get3A_363 = vector.shape_cast %get3A_362 : vector<1x16xf32> to vector<16xf32>
        %get3A_364 = arith.index_cast %scan3A_332 : i32 to index
        %get3A_365 = arith.constant 32 : index
        %get3A_366 = tpu.vector_load %arg17[%get3A_364, %get3A_365] {strides = array<i32>} : memref<80x128xf32, #tpu.memory_space<vmem>>, vector<1x16xf32>,
        %get3A_367 = vector.shape_cast %get3A_366 : vector<1x16xf32> to vector<16xf32>
        %mul3A_368 = arith.mulf %get3A_363, %get3A_367 : vector<16xf32>
        %swap3A_369 = arith.index_cast %scan3A_332 : i32 to index
        %swap3A_370 = arith.constant 32 : index
        %swap3A_371 = tpu.vector_load %arg15[%swap3A_369, %swap3A_370] {strides = array<i32>} : memref<80x128xf32, #tpu.memory_space<vmem>>, vector<1x16xf32>,
        %swap3A_372 = vector.shape_cast %swap3A_371 : vector<1x16xf32> to vector<16xf32>
        %swap3A_373 = vector.shape_cast %mul3A_368 : vector<16xf32> to vector<1x16xf32>
        tpu.vector_store %arg15[%swap3A_369, %swap3A_370], %swap3A_373 {strides = array<i32>} : memref<80x128xf32, #tpu.memory_space<vmem>>, vector<1x16xf32>,
        %get3A_374 = arith.index_cast %scan3A_332 : i32 to index
        %get3A_375 = arith.constant 48 : index
        %get3A_376 = tpu.vector_load %arg15[%get3A_374, %get3A_375] {strides = array<i32>} : memref<80x128xf32, #tpu.memory_space<vmem>>, vector<1x16xf32>,
        %get3A_377 = vector.shape_cast %get3A_376 : vector<1x16xf32> to vector<16xf32>
        %get3A_378 = arith.index_cast %scan3A_332 : i32 to index
        %get3A_379 = arith.constant 48 : index
        %get3A_380 = tpu.vector_load %arg17[%get3A_378, %get3A_379] {strides = array<i32>} : memref<80x128xf32, #tpu.memory_space<vmem>>, vector<1x16xf32>,
        %get3A_381 = vector.shape_cast %get3A_380 : vector<1x16xf32> to vector<16xf32>
        %mul3A_382 = arith.mulf %get3A_377, %get3A_381 : vector<16xf32>
        %swap3A_383 = arith.index_cast %scan3A_332 : i32 to index
        %swap3A_384 = arith.constant 48 : index
        %swap3A_385 = tpu.vector_load %arg15[%swap3A_383, %swap3A_384] {strides = array<i32>} : memref<80x128xf32, #tpu.memory_space<vmem>>, vector<1x16xf32>,
        %swap3A_386 = vector.shape_cast %swap3A_385 : vector<1x16xf32> to vector<16xf32>
        %swap3A_387 = vector.shape_cast %mul3A_382 : vector<16xf32> to vector<1x16xf32>
        tpu.vector_store %arg15[%swap3A_383, %swap3A_384], %swap3A_387 {strides = array<i32>} : memref<80x128xf32, #tpu.memory_space<vmem>>, vector<1x16xf32>,
        %get3A_388 = arith.index_cast %scan3A_332 : i32 to index
        %get3A_389 = arith.constant 64 : index
        %get3A_390 = tpu.vector_load %arg15[%get3A_388, %get3A_389] {strides = array<i32>} : memref<80x128xf32, #tpu.memory_space<vmem>>, vector<1x16xf32>,
        %get3A_391 = vector.shape_cast %get3A_390 : vector<1x16xf32> to vector<16xf32>
        %get3A_392 = arith.index_cast %scan3A_332 : i32 to index
        %get3A_393 = arith.constant 64 : index
        %get3A_394 = tpu.vector_load %arg17[%get3A_392, %get3A_393] {strides = array<i32>} : memref<80x128xf32, #tpu.memory_space<vmem>>, vector<1x16xf32>,
        %get3A_395 = vector.shape_cast %get3A_394 : vector<1x16xf32> to vector<16xf32>
        %mul3A_396 = arith.mulf %get3A_391, %get3A_395 : vector<16xf32>
        %swap3A_397 = arith.index_cast %scan3A_332 : i32 to index
        %swap3A_398 = arith.constant 64 : index
        %swap3A_399 = tpu.vector_load %arg15[%swap3A_397, %swap3A_398] {strides = array<i32>} : memref<80x128xf32, #tpu.memory_space<vmem>>, vector<1x16xf32>,
        %swap3A_400 = vector.shape_cast %swap3A_399 : vector<1x16xf32> to vector<16xf32>
        %swap3A_401 = vector.shape_cast %mul3A_396 : vector<16xf32> to vector<1x16xf32>
        tpu.vector_store %arg15[%swap3A_397, %swap3A_398], %swap3A_401 {strides = array<i32>} : memref<80x128xf32, #tpu.memory_space<vmem>>, vector<1x16xf32>,
        %get3A_402 = arith.index_cast %scan3A_332 : i32 to index
        %get3A_403 = arith.constant 80 : index
        %get3A_404 = tpu.vector_load %arg15[%get3A_402, %get3A_403] {strides = array<i32>} : memref<80x128xf32, #tpu.memory_space<vmem>>, vector<1x16xf32>,
        %get3A_405 = vector.shape_cast %get3A_404 : vector<1x16xf32> to vector<16xf32>
        %get3A_406 = arith.index_cast %scan3A_332 : i32 to index
        %get3A_407 = arith.constant 80 : index
        %get3A_408 = tpu.vector_load %arg17[%get3A_406, %get3A_407] {strides = array<i32>} : memref<80x128xf32, #tpu.memory_space<vmem>>, vector<1x16xf32>,
        %get3A_409 = vector.shape_cast %get3A_408 : vector<1x16xf32> to vector<16xf32>
        %mul3A_410 = arith.mulf %get3A_405, %get3A_409 : vector<16xf32>
        %swap3A_411 = arith.index_cast %scan3A_332 : i32 to index
        %swap3A_412 = arith.constant 80 : index
        %swap3A_413 = tpu.vector_load %arg15[%swap3A_411, %swap3A_412] {strides = array<i32>} : memref<80x128xf32, #tpu.memory_space<vmem>>, vector<1x16xf32>,
        %swap3A_414 = vector.shape_cast %swap3A_413 : vector<1x16xf32> to vector<16xf32>
        %swap3A_415 = vector.shape_cast %mul3A_410 : vector<16xf32> to vector<1x16xf32>
        tpu.vector_store %arg15[%swap3A_411, %swap3A_412], %swap3A_415 {strides = array<i32>} : memref<80x128xf32, #tpu.memory_space<vmem>>, vector<1x16xf32>,
        %get3A_416 = arith.index_cast %scan3A_332 : i32 to index
        %get3A_417 = arith.constant 96 : index
        %get3A_418 = tpu.vector_load %arg15[%get3A_416, %get3A_417] {strides = array<i32>} : memref<80x128xf32, #tpu.memory_space<vmem>>, vector<1x16xf32>,
        %get3A_419 = vector.shape_cast %get3A_418 : vector<1x16xf32> to vector<16xf32>
        %get3A_420 = arith.index_cast %scan3A_332 : i32 to index
        %get3A_421 = arith.constant 96 : index
        %get3A_422 = tpu.vector_load %arg17[%get3A_420, %get3A_421] {strides = array<i32>} : memref<80x128xf32, #tpu.memory_space<vmem>>, vector<1x16xf32>,
        %get3A_423 = vector.shape_cast %get3A_422 : vector<1x16xf32> to vector<16xf32>
        %mul3A_424 = arith.mulf %get3A_419, %get3A_423 : vector<16xf32>
        %swap3A_425 = arith.index_cast %scan3A_332 : i32 to index
        %swap3A_426 = arith.constant 96 : index
        %swap3A_427 = tpu.vector_load %arg15[%swap3A_425, %swap3A_426] {strides = array<i32>} : memref<80x128xf32, #tpu.memory_space<vmem>>, vector<1x16xf32>,
        %swap3A_428 = vector.shape_cast %swap3A_427 : vector<1x16xf32> to vector<16xf32>
        %swap3A_429 = vector.shape_cast %mul3A_424 : vector<16xf32> to vector<1x16xf32>
        tpu.vector_store %arg15[%swap3A_425, %swap3A_426], %swap3A_429 {strides = array<i32>} : memref<80x128xf32, #tpu.memory_space<vmem>>, vector<1x16xf32>,
        %get3A_430 = arith.index_cast %scan3A_332 : i32 to index
        %get3A_431 = arith.constant 112 : index
        %get3A_432 = tpu.vector_load %arg15[%get3A_430, %get3A_431] {strides = array<i32>} : memref<80x128xf32, #tpu.memory_space<vmem>>, vector<1x16xf32>,
        %get3A_433 = vector.shape_cast %get3A_432 : vector<1x16xf32> to vector<16xf32>
        %get3A_434 = arith.index_cast %scan3A_332 : i32 to index
        %get3A_435 = arith.constant 112 : index
        %get3A_436 = tpu.vector_load %arg17[%get3A_434, %get3A_435] {strides = array<i32>} : memref<80x128xf32, #tpu.memory_space<vmem>>, vector<1x16xf32>,
        %get3A_437 = vector.shape_cast %get3A_436 : vector<1x16xf32> to vector<16xf32>
        %mul3A_438 = arith.mulf %get3A_433, %get3A_437 : vector<16xf32>
        %swap3A_439 = arith.index_cast %scan3A_332 : i32 to index
        %swap3A_440 = arith.constant 112 : index
        %swap3A_441 = tpu.vector_load %arg15[%swap3A_439, %swap3A_440] {strides = array<i32>} : memref<80x128xf32, #tpu.memory_space<vmem>>, vector<1x16xf32>,
        %swap3A_442 = vector.shape_cast %swap3A_441 : vector<1x16xf32> to vector<16xf32>
        %swap3A_443 = vector.shape_cast %mul3A_438 : vector<16xf32> to vector<1x16xf32>
        tpu.vector_store %arg15[%swap3A_439, %swap3A_440], %swap3A_443 {strides = array<i32>} : memref<80x128xf32, #tpu.memory_space<vmem>>, vector<1x16xf32>,
      }
      %scan3A_293 = arith.constant 80 : i32
      %dma_wait3A_294 = arith.constant 0 : i32
      %dma_wait3A_295 = arith.constant 0 : i32
      %dma_wait3A_296 = tpu.memref_slice %arg12[%rem3A_154, %dma_wait3A_294, %dma_wait3A_295] : memref<2x8x80xi32, #tpu.memory_space<vmem>> -> memref<1x8x80xi32, #tpu.memory_space<vmem>>
      %dma_wait3A_297 = tpu.memref_squeeze %dma_wait3A_296 : memref<1x8x80xi32, #tpu.memory_space<vmem>> -> memref<8x80xi32, #tpu.memory_space<vmem>>
      %dma_wait3A_298 = arith.constant 0 : i32
      %dma_wait3A_299 = tpu.memref_slice %dma_wait3A_297[%mul3A_160, %dma_wait3A_298] : memref<8x80xi32, #tpu.memory_space<vmem>> -> memref<1x80xi32, #tpu.memory_space<vmem>>
      %dma_wait3A_300 = tpu.memref_squeeze %dma_wait3A_299 : memref<1x80xi32, #tpu.memory_space<vmem>> -> memref<80xi32, #tpu.memory_space<vmem>>
      %dma_wait3A_301 = arith.constant 0 : i32
      %dma_wait3A_302 = arith.constant 0 : i32
      %dma_wait3A_303 = tpu.memref_slice %arg19[%dma_wait3A_301, %dma_wait3A_302] : memref<10000x128xf32, #tpu.memory_space<vmem_shared>> -> memref<10000x128xf32, #tpu.memory_space<vmem_shared>>
      tpu.wait_indirect_dma semaphore(%arg26 : memref<!tpu.dma_semaphore, #tpu.memory_space<semaphore_mem>>) src(%arg14 : memref<80x128xf32, #tpu.memory_space<vmem>>) dst(%dma_wait3A_303 : memref<10000x128xf32, #tpu.memory_space<vmem_shared>>)
      %dma_wait3A_304 = arith.constant 0 : i32
      %dma_wait3A_305 = arith.constant 0 : i32
      %dma_wait3A_306 = tpu.memref_slice %arg12[%rem3A_154, %dma_wait3A_304, %dma_wait3A_305] : memref<2x8x80xi32, #tpu.memory_space<vmem>> -> memref<1x8x80xi32, #tpu.memory_space<vmem>>
      %dma_wait3A_307 = tpu.memref_squeeze %dma_wait3A_306 : memref<1x8x80xi32, #tpu.memory_space<vmem>> -> memref<8x80xi32, #tpu.memory_space<vmem>>
      %dma_wait3A_308 = arith.constant 0 : i32
      %dma_wait3A_309 = tpu.memref_slice %dma_wait3A_307[%mul3A_160, %dma_wait3A_308] : memref<8x80xi32, #tpu.memory_space<vmem>> -> memref<1x80xi32, #tpu.memory_space<vmem>>
      %dma_wait3A_310 = tpu.memref_squeeze %dma_wait3A_309 : memref<1x80xi32, #tpu.memory_space<vmem>> -> memref<80xi32, #tpu.memory_space<vmem>>
      %dma_wait3A_311 = arith.constant 0 : i32
      %dma_wait3A_312 = tpu.memref_slice %arg20[%dma_wait3A_311] : memref<10000xf32, #tpu.memory_space<vmem_shared>> -> memref<10000xf32, #tpu.memory_space<vmem_shared>>
      tpu.wait_indirect_dma semaphore(%arg27 : memref<!tpu.dma_semaphore, #tpu.memory_space<semaphore_mem>>) src(%arg18 : memref<80xf32, #tpu.memory_space<vmem>>) dst(%dma_wait3A_312 : memref<10000xf32, #tpu.memory_space<vmem_shared>>)
      %dma_start3A_313 = arith.constant 0 : i32
      %dma_start3A_314 = arith.constant 0 : i32
      %dma_start3A_315 = tpu.memref_slice %arg12[%rem3A_154, %dma_start3A_313, %dma_start3A_314] : memref<2x8x80xi32, #tpu.memory_space<vmem>> -> memref<1x8x80xi32, #tpu.memory_space<vmem>>
      %dma_start3A_316 = tpu.memref_squeeze %dma_start3A_315 : memref<1x8x80xi32, #tpu.memory_space<vmem>> -> memref<8x80xi32, #tpu.memory_space<vmem>>
      %dma_start3A_317 = arith.constant 0 : i32
      %dma_start3A_318 = tpu.memref_slice %dma_start3A_316[%add3A_162, %dma_start3A_317] : memref<8x80xi32, #tpu.memory_space<vmem>> -> memref<1x80xi32, #tpu.memory_space<vmem>>
      %dma_start3A_319 = tpu.memref_squeeze %dma_start3A_318 : memref<1x80xi32, #tpu.memory_space<vmem>> -> memref<80xi32, #tpu.memory_space<vmem>>
      %dma_start3A_320 = arith.constant 0 : i32
      %dma_start3A_321 = arith.constant 0 : i32
      %dma_start3A_322 = tpu.memref_slice %arg19[%dma_start3A_320, %dma_start3A_321] : memref<10000x128xf32, #tpu.memory_space<vmem_shared>> -> memref<10000x128xf32, #tpu.memory_space<vmem_shared>>
      tpu.enqueue_indirect_dma source(%arg15 : memref<80x128xf32, #tpu.memory_space<vmem>>) target(%dma_start3A_322 : memref<10000x128xf32, #tpu.memory_space<vmem_shared>>) offsets(%dma_start3A_319 : memref<80xi32, #tpu.memory_space<vmem>>) semaphore(%arg26 : memref<!tpu.dma_semaphore, #tpu.memory_space<semaphore_mem>>) {add = true}
      %dma_start3A_323 = arith.constant 0 : i32
      %dma_start3A_324 = arith.constant 0 : i32
      %dma_start3A_325 = tpu.memref_slice %arg12[%rem3A_154, %dma_start3A_323, %dma_start3A_324] : memref<2x8x80xi32, #tpu.memory_space<vmem>> -> memref<1x8x80xi32, #tpu.memory_space<vmem>>
      %dma_start3A_326 = tpu.memref_squeeze %dma_start3A_325 : memref<1x8x80xi32, #tpu.memory_space<vmem>> -> memref<8x80xi32, #tpu.memory_space<vmem>>
      %dma_start3A_327 = arith.constant 0 : i32
      %dma_start3A_328 = tpu.memref_slice %dma_start3A_326[%add3A_162, %dma_start3A_327] : memref<8x80xi32, #tpu.memory_space<vmem>> -> memref<1x80xi32, #tpu.memory_space<vmem>>
      %dma_start3A_329 = tpu.memref_squeeze %dma_start3A_328 : memref<1x80xi32, #tpu.memory_space<vmem>> -> memref<80xi32, #tpu.memory_space<vmem>>
      %dma_start3A_330 = arith.constant 0 : i32
      %dma_start3A_331 = tpu.memref_slice %arg20[%dma_start3A_330] : memref<10000xf32, #tpu.memory_space<vmem_shared>> -> memref<10000xf32, #tpu.memory_space<vmem_shared>>
      tpu.enqueue_indirect_dma source(%arg18 : memref<80xf32, #tpu.memory_space<vmem>>) target(%dma_start3A_331 : memref<10000xf32, #tpu.memory_space<vmem_shared>>) offsets(%dma_start3A_329 : memref<80xi32, #tpu.memory_space<vmem>>) semaphore(%arg27 : memref<!tpu.dma_semaphore, #tpu.memory_space<semaphore_mem>>) {add = true}
    }
    %scan3A_53 = arith.constant 62 : i32
    %dma_wait3A = arith.constant 0 : i32
    %dma_wait3A_54 = arith.constant 0 : i32
    %dma_wait3A_55 = tpu.memref_slice %arg19[%dma_wait3A, %dma_wait3A_54] : memref<10000x128xf32, #tpu.memory_space<vmem_shared>> -> memref<80x128xf32, #tpu.memory_space<vmem_shared>>
    %dma_wait3A_56 = arith.constant 0 : i32
    %dma_wait3A_57 = arith.constant 0 : i32
    %dma_wait3A_58 = tpu.memref_slice %arg19[%dma_wait3A_56, %dma_wait3A_57] : memref<10000x128xf32, #tpu.memory_space<vmem_shared>> -> memref<80x128xf32, #tpu.memory_space<vmem_shared>>
    tpu.wait_dma2 semaphore(%arg26 : memref<!tpu.dma_semaphore, #tpu.memory_space<semaphore_mem>>) src(%arg15 : memref<80x128xf32, #tpu.memory_space<vmem>>) dst(%dma_wait3A_58 : memref<80x128xf32, #tpu.memory_space<vmem_shared>>)
    %dma_wait3A_59 = arith.constant 0 : i32
    %dma_wait3A_60 = tpu.memref_slice %arg20[%dma_wait3A_59] : memref<10000xf32, #tpu.memory_space<vmem_shared>> -> memref<80xf32, #tpu.memory_space<vmem_shared>>
    %dma_wait3A_61 = arith.constant 0 : i32
    %dma_wait3A_62 = tpu.memref_slice %arg20[%dma_wait3A_61] : memref<10000xf32, #tpu.memory_space<vmem_shared>> -> memref<80xf32, #tpu.memory_space<vmem_shared>>
    tpu.wait_dma2 semaphore(%arg27 : memref<!tpu.dma_semaphore, #tpu.memory_space<semaphore_mem>>) src(%arg18 : memref<80xf32, #tpu.memory_space<vmem>>) dst(%dma_wait3A_62 : memref<80xf32, #tpu.memory_space<vmem_shared>>)
    %dma_start3A = arith.constant 1 : i32
    %dma_start3A_63 = arith.constant 4 : i32
    %dma_start3A_64 = arith.constant 0 : i32
    %dma_start3A_65 = arith.constant 0 : i32
    %dma_start3A_66 = tpu.memref_slice %arg11[%dma_start3A, %dma_start3A_64, %dma_start3A_65] : memref<2x8x80xi32, #tpu.memory_space<vmem>> -> memref<1x8x80xi32, #tpu.memory_space<vmem>>
    %dma_start3A_67 = tpu.memref_squeeze %dma_start3A_66 : memref<1x8x80xi32, #tpu.memory_space<vmem>> -> memref<8x80xi32, #tpu.memory_space<vmem>>
    %dma_start3A_68 = arith.constant 0 : i32
    %dma_start3A_69 = tpu.memref_slice %dma_start3A_67[%dma_start3A_63, %dma_start3A_68] : memref<8x80xi32, #tpu.memory_space<vmem>> -> memref<1x80xi32, #tpu.memory_space<vmem>>
    %dma_start3A_70 = tpu.memref_squeeze %dma_start3A_69 : memref<1x80xi32, #tpu.memory_space<vmem>> -> memref<80xi32, #tpu.memory_space<vmem>>
    %dma_start3A_71 = arith.constant 0 : i32
    %dma_start3A_72 = arith.constant 0 : i32
    %dma_start3A_73 = tpu.memref_slice %arg5[%dma_start3A_71, %dma_start3A_72] : memref<10000x128xf32, #tpu.memory_space<hbm>> -> memref<10000x128xf32, #tpu.memory_space<hbm>>
    tpu.enqueue_indirect_dma source(%dma_start3A_73 : memref<10000x128xf32, #tpu.memory_space<hbm>>) target(%arg14 : memref<80x128xf32, #tpu.memory_space<vmem>>) offsets(%dma_start3A_70 : memref<80xi32, #tpu.memory_space<vmem>>) semaphore(%arg22 : memref<!tpu.dma_semaphore, #tpu.memory_space<semaphore_mem>>)
    %dma_start3A_74 = arith.constant 1 : i32
    %dma_start3A_75 = arith.constant 4 : i32
    %dma_start3A_76 = arith.constant 0 : i32
    %dma_start3A_77 = arith.constant 0 : i32
    %dma_start3A_78 = tpu.memref_slice %arg13[%dma_start3A_74, %dma_start3A_76, %dma_start3A_77] : memref<2x8x80xi32, #tpu.memory_space<vmem>> -> memref<1x8x80xi32, #tpu.memory_space<vmem>>
    %dma_start3A_79 = tpu.memref_squeeze %dma_start3A_78 : memref<1x8x80xi32, #tpu.memory_space<vmem>> -> memref<8x80xi32, #tpu.memory_space<vmem>>
    %dma_start3A_80 = arith.constant 0 : i32
    %dma_start3A_81 = tpu.memref_slice %dma_start3A_79[%dma_start3A_75, %dma_start3A_80] : memref<8x80xi32, #tpu.memory_space<vmem>> -> memref<1x80xi32, #tpu.memory_space<vmem>>
    %dma_start3A_82 = tpu.memref_squeeze %dma_start3A_81 : memref<1x80xi32, #tpu.memory_space<vmem>> -> memref<80xi32, #tpu.memory_space<vmem>>
    %dma_start3A_83 = arith.constant 0 : i32
    %dma_start3A_84 = arith.constant 0 : i32
    %dma_start3A_85 = tpu.memref_slice %arg21[%dma_start3A_83, %dma_start3A_84] : memref<104x128xf32, #tpu.memory_space<vmem_shared>> -> memref<104x128xf32, #tpu.memory_space<vmem_shared>>
    tpu.enqueue_indirect_dma source(%dma_start3A_85 : memref<104x128xf32, #tpu.memory_space<vmem_shared>>) target(%arg16 : memref<80x128xf32, #tpu.memory_space<vmem>>) offsets(%dma_start3A_82 : memref<80xi32, #tpu.memory_space<vmem>>) semaphore(%arg24 : memref<!tpu.dma_semaphore, #tpu.memory_space<semaphore_mem>>)
    %dma_wait3A_86 = arith.constant 1 : i32
    %dma_wait3A_87 = arith.constant 4 : i32
    %dma_wait3A_88 = arith.constant 0 : i32
    %dma_wait3A_89 = arith.constant 0 : i32
    %dma_wait3A_90 = tpu.memref_slice %arg11[%dma_wait3A_86, %dma_wait3A_88, %dma_wait3A_89] : memref<2x8x80xi32, #tpu.memory_space<vmem>> -> memref<1x8x80xi32, #tpu.memory_space<vmem>>
    %dma_wait3A_91 = tpu.memref_squeeze %dma_wait3A_90 : memref<1x8x80xi32, #tpu.memory_space<vmem>> -> memref<8x80xi32, #tpu.memory_space<vmem>>
    %dma_wait3A_92 = arith.constant 0 : i32
    %dma_wait3A_93 = tpu.memref_slice %dma_wait3A_91[%dma_wait3A_87, %dma_wait3A_92] : memref<8x80xi32, #tpu.memory_space<vmem>> -> memref<1x80xi32, #tpu.memory_space<vmem>>
    %dma_wait3A_94 = tpu.memref_squeeze %dma_wait3A_93 : memref<1x80xi32, #tpu.memory_space<vmem>> -> memref<80xi32, #tpu.memory_space<vmem>>
    %dma_wait3A_95 = arith.constant 0 : i32
    %dma_wait3A_96 = arith.constant 0 : i32
    %dma_wait3A_97 = tpu.memref_slice %arg5[%dma_wait3A_95, %dma_wait3A_96] : memref<10000x128xf32, #tpu.memory_space<hbm>> -> memref<10000x128xf32, #tpu.memory_space<hbm>>
    tpu.wait_indirect_dma semaphore(%arg22 : memref<!tpu.dma_semaphore, #tpu.memory_space<semaphore_mem>>) src(%dma_wait3A_97 : memref<10000x128xf32, #tpu.memory_space<hbm>>) dst(%arg14 : memref<80x128xf32, #tpu.memory_space<vmem>>)
    %dma_wait3A_98 = arith.constant 1 : i32
    %dma_wait3A_99 = arith.constant 4 : i32
    %dma_wait3A_100 = arith.constant 0 : i32
    %dma_wait3A_101 = arith.constant 0 : i32
    %dma_wait3A_102 = tpu.memref_slice %arg13[%dma_wait3A_98, %dma_wait3A_100, %dma_wait3A_101] : memref<2x8x80xi32, #tpu.memory_space<vmem>> -> memref<1x8x80xi32, #tpu.memory_space<vmem>>
    %dma_wait3A_103 = tpu.memref_squeeze %dma_wait3A_102 : memref<1x8x80xi32, #tpu.memory_space<vmem>> -> memref<8x80xi32, #tpu.memory_space<vmem>>
    %dma_wait3A_104 = arith.constant 0 : i32
    %dma_wait3A_105 = tpu.memref_slice %dma_wait3A_103[%dma_wait3A_99, %dma_wait3A_104] : memref<8x80xi32, #tpu.memory_space<vmem>> -> memref<1x80xi32, #tpu.memory_space<vmem>>
    %dma_wait3A_106 = tpu.memref_squeeze %dma_wait3A_105 : memref<1x80xi32, #tpu.memory_space<vmem>> -> memref<80xi32, #tpu.memory_space<vmem>>
    %dma_wait3A_107 = arith.constant 0 : i32
    %dma_wait3A_108 = arith.constant 0 : i32
    %dma_wait3A_109 = tpu.memref_slice %arg21[%dma_wait3A_107, %dma_wait3A_108] : memref<104x128xf32, #tpu.memory_space<vmem_shared>> -> memref<104x128xf32, #tpu.memory_space<vmem_shared>>
    tpu.wait_indirect_dma semaphore(%arg24 : memref<!tpu.dma_semaphore, #tpu.memory_space<semaphore_mem>>) src(%dma_wait3A_109 : memref<104x128xf32, #tpu.memory_space<vmem_shared>>) dst(%arg16 : memref<80x128xf32, #tpu.memory_space<vmem>>)
    %scan3A_110 = arith.constant 0 : i32
    %scan3A_111 = arith.constant 0 : i32
    %scan3A_112 = arith.constant 80 : i32
    %scan3A_113 = arith.addi %scan3A_111, %scan3A_112 : i32
    %scan3A_114 = arith.constant 1 : i32
    scf.for %scan3A_136 = %scan3A_111 to %scan3A_113 step %scan3A_114  : i32 {
      %get3A = arith.index_cast %scan3A_136 : i32 to index
      %get3A_137 = arith.constant 0 : index
      %get3A_138 = tpu.vector_load %arg14[%get3A, %get3A_137] {strides = array<i32>} : memref<80x128xf32, #tpu.memory_space<vmem>>, vector<1x16xf32>,
      %get3A_139 = vector.shape_cast %get3A_138 : vector<1x16xf32> to vector<16xf32>
      %get3A_140 = arith.index_cast %scan3A_136 : i32 to index
      %get3A_141 = arith.constant 0 : index
      %get3A_142 = tpu.vector_load %arg16[%get3A_140, %get3A_141] {strides = array<i32>} : memref<80x128xf32, #tpu.memory_space<vmem>>, vector<1x16xf32>,
      %get3A_143 = vector.shape_cast %get3A_142 : vector<1x16xf32> to vector<16xf32>
      %mul3A_144 = arith.mulf %get3A_139, %get3A_143 : vector<16xf32>
      %swap3A_145 = arith.index_cast %scan3A_136 : i32 to index
      %swap3A_146 = arith.constant 0 : index
      %swap3A_147 = tpu.vector_load %arg14[%swap3A_145, %swap3A_146] {strides = array<i32>} : memref<80x128xf32, #tpu.memory_space<vmem>>, vector<1x16xf32>,
      %swap3A_148 = vector.shape_cast %swap3A_147 : vector<1x16xf32> to vector<16xf32>
      %swap3A_149 = vector.shape_cast %mul3A_144 : vector<16xf32> to vector<1x16xf32>
      tpu.vector_store %arg14[%swap3A_145, %swap3A_146], %swap3A_149 {strides = array<i32>} : memref<80x128xf32, #tpu.memory_space<vmem>>, vector<1x16xf32>,
      %get3A_150 = arith.index_cast %scan3A_136 : i32 to index
      %get3A_151 = arith.constant 16 : index
      %get3A_152 = tpu.vector_load %arg14[%get3A_150, %get3A_151] {strides = array<i32>} : memref<80x128xf32, #tpu.memory_space<vmem>>, vector<1x16xf32>,
      %get3A_153 = vector.shape_cast %get3A_152 : vector<1x16xf32> to vector<16xf32>
      %get3A_154 = arith.index_cast %scan3A_136 : i32 to index
      %get3A_155 = arith.constant 16 : index
      %get3A_156 = tpu.vector_load %arg16[%get3A_154, %get3A_155] {strides = array<i32>} : memref<80x128xf32, #tpu.memory_space<vmem>>, vector<1x16xf32>,
      %get3A_157 = vector.shape_cast %get3A_156 : vector<1x16xf32> to vector<16xf32>
      %mul3A_158 = arith.mulf %get3A_153, %get3A_157 : vector<16xf32>
      %swap3A_159 = arith.index_cast %scan3A_136 : i32 to index
      %swap3A_160 = arith.constant 16 : index
      %swap3A_161 = tpu.vector_load %arg14[%swap3A_159, %swap3A_160] {strides = array<i32>} : memref<80x128xf32, #tpu.memory_space<vmem>>, vector<1x16xf32>,
      %swap3A_162 = vector.shape_cast %swap3A_161 : vector<1x16xf32> to vector<16xf32>
      %swap3A_163 = vector.shape_cast %mul3A_158 : vector<16xf32> to vector<1x16xf32>
      tpu.vector_store %arg14[%swap3A_159, %swap3A_160], %swap3A_163 {strides = array<i32>} : memref<80x128xf32, #tpu.memory_space<vmem>>, vector<1x16xf32>,
      %get3A_164 = arith.index_cast %scan3A_136 : i32 to index
      %get3A_165 = arith.constant 32 : index
      %get3A_166 = tpu.vector_load %arg14[%get3A_164, %get3A_165] {strides = array<i32>} : memref<80x128xf32, #tpu.memory_space<vmem>>, vector<1x16xf32>,
      %get3A_167 = vector.shape_cast %get3A_166 : vector<1x16xf32> to vector<16xf32>
      %get3A_168 = arith.index_cast %scan3A_136 : i32 to index
      %get3A_169 = arith.constant 32 : index
      %get3A_170 = tpu.vector_load %arg16[%get3A_168, %get3A_169] {strides = array<i32>} : memref<80x128xf32, #tpu.memory_space<vmem>>, vector<1x16xf32>,
      %get3A_171 = vector.shape_cast %get3A_170 : vector<1x16xf32> to vector<16xf32>
      %mul3A_172 = arith.mulf %get3A_167, %get3A_171 : vector<16xf32>
      %swap3A_173 = arith.index_cast %scan3A_136 : i32 to index
      %swap3A_174 = arith.constant 32 : index
      %swap3A_175 = tpu.vector_load %arg14[%swap3A_173, %swap3A_174] {strides = array<i32>} : memref<80x128xf32, #tpu.memory_space<vmem>>, vector<1x16xf32>,
      %swap3A_176 = vector.shape_cast %swap3A_175 : vector<1x16xf32> to vector<16xf32>
      %swap3A_177 = vector.shape_cast %mul3A_172 : vector<16xf32> to vector<1x16xf32>
      tpu.vector_store %arg14[%swap3A_173, %swap3A_174], %swap3A_177 {strides = array<i32>} : memref<80x128xf32, #tpu.memory_space<vmem>>, vector<1x16xf32>,
      %get3A_178 = arith.index_cast %scan3A_136 : i32 to index
      %get3A_179 = arith.constant 48 : index
      %get3A_180 = tpu.vector_load %arg14[%get3A_178, %get3A_179] {strides = array<i32>} : memref<80x128xf32, #tpu.memory_space<vmem>>, vector<1x16xf32>,
      %get3A_181 = vector.shape_cast %get3A_180 : vector<1x16xf32> to vector<16xf32>
      %get3A_182 = arith.index_cast %scan3A_136 : i32 to index
      %get3A_183 = arith.constant 48 : index
      %get3A_184 = tpu.vector_load %arg16[%get3A_182, %get3A_183] {strides = array<i32>} : memref<80x128xf32, #tpu.memory_space<vmem>>, vector<1x16xf32>,
      %get3A_185 = vector.shape_cast %get3A_184 : vector<1x16xf32> to vector<16xf32>
      %mul3A_186 = arith.mulf %get3A_181, %get3A_185 : vector<16xf32>
      %swap3A_187 = arith.index_cast %scan3A_136 : i32 to index
      %swap3A_188 = arith.constant 48 : index
      %swap3A_189 = tpu.vector_load %arg14[%swap3A_187, %swap3A_188] {strides = array<i32>} : memref<80x128xf32, #tpu.memory_space<vmem>>, vector<1x16xf32>,
      %swap3A_190 = vector.shape_cast %swap3A_189 : vector<1x16xf32> to vector<16xf32>
      %swap3A_191 = vector.shape_cast %mul3A_186 : vector<16xf32> to vector<1x16xf32>
      tpu.vector_store %arg14[%swap3A_187, %swap3A_188], %swap3A_191 {strides = array<i32>} : memref<80x128xf32, #tpu.memory_space<vmem>>, vector<1x16xf32>,
      %get3A_192 = arith.index_cast %scan3A_136 : i32 to index
      %get3A_193 = arith.constant 64 : index
      %get3A_194 = tpu.vector_load %arg14[%get3A_192, %get3A_193] {strides = array<i32>} : memref<80x128xf32, #tpu.memory_space<vmem>>, vector<1x16xf32>,
      %get3A_195 = vector.shape_cast %get3A_194 : vector<1x16xf32> to vector<16xf32>
      %get3A_196 = arith.index_cast %scan3A_136 : i32 to index
      %get3A_197 = arith.constant 64 : index
      %get3A_198 = tpu.vector_load %arg16[%get3A_196, %get3A_197] {strides = array<i32>} : memref<80x128xf32, #tpu.memory_space<vmem>>, vector<1x16xf32>,
      %get3A_199 = vector.shape_cast %get3A_198 : vector<1x16xf32> to vector<16xf32>
      %mul3A_200 = arith.mulf %get3A_195, %get3A_199 : vector<16xf32>
      %swap3A_201 = arith.index_cast %scan3A_136 : i32 to index
      %swap3A_202 = arith.constant 64 : index
      %swap3A_203 = tpu.vector_load %arg14[%swap3A_201, %swap3A_202] {strides = array<i32>} : memref<80x128xf32, #tpu.memory_space<vmem>>, vector<1x16xf32>,
      %swap3A_204 = vector.shape_cast %swap3A_203 : vector<1x16xf32> to vector<16xf32>
      %swap3A_205 = vector.shape_cast %mul3A_200 : vector<16xf32> to vector<1x16xf32>
      tpu.vector_store %arg14[%swap3A_201, %swap3A_202], %swap3A_205 {strides = array<i32>} : memref<80x128xf32, #tpu.memory_space<vmem>>, vector<1x16xf32>,
      %get3A_206 = arith.index_cast %scan3A_136 : i32 to index
      %get3A_207 = arith.constant 80 : index
      %get3A_208 = tpu.vector_load %arg14[%get3A_206, %get3A_207] {strides = array<i32>} : memref<80x128xf32, #tpu.memory_space<vmem>>, vector<1x16xf32>,
      %get3A_209 = vector.shape_cast %get3A_208 : vector<1x16xf32> to vector<16xf32>
      %get3A_210 = arith.index_cast %scan3A_136 : i32 to index
      %get3A_211 = arith.constant 80 : index
      %get3A_212 = tpu.vector_load %arg16[%get3A_210, %get3A_211] {strides = array<i32>} : memref<80x128xf32, #tpu.memory_space<vmem>>, vector<1x16xf32>,
      %get3A_213 = vector.shape_cast %get3A_212 : vector<1x16xf32> to vector<16xf32>
      %mul3A_214 = arith.mulf %get3A_209, %get3A_213 : vector<16xf32>
      %swap3A_215 = arith.index_cast %scan3A_136 : i32 to index
      %swap3A_216 = arith.constant 80 : index
      %swap3A_217 = tpu.vector_load %arg14[%swap3A_215, %swap3A_216] {strides = array<i32>} : memref<80x128xf32, #tpu.memory_space<vmem>>, vector<1x16xf32>,
      %swap3A_218 = vector.shape_cast %swap3A_217 : vector<1x16xf32> to vector<16xf32>
      %swap3A_219 = vector.shape_cast %mul3A_214 : vector<16xf32> to vector<1x16xf32>
      tpu.vector_store %arg14[%swap3A_215, %swap3A_216], %swap3A_219 {strides = array<i32>} : memref<80x128xf32, #tpu.memory_space<vmem>>, vector<1x16xf32>,
      %get3A_220 = arith.index_cast %scan3A_136 : i32 to index
      %get3A_221 = arith.constant 96 : index
      %get3A_222 = tpu.vector_load %arg14[%get3A_220, %get3A_221] {strides = array<i32>} : memref<80x128xf32, #tpu.memory_space<vmem>>, vector<1x16xf32>,
      %get3A_223 = vector.shape_cast %get3A_222 : vector<1x16xf32> to vector<16xf32>
      %get3A_224 = arith.index_cast %scan3A_136 : i32 to index
      %get3A_225 = arith.constant 96 : index
      %get3A_226 = tpu.vector_load %arg16[%get3A_224, %get3A_225] {strides = array<i32>} : memref<80x128xf32, #tpu.memory_space<vmem>>, vector<1x16xf32>,
      %get3A_227 = vector.shape_cast %get3A_226 : vector<1x16xf32> to vector<16xf32>
      %mul3A_228 = arith.mulf %get3A_223, %get3A_227 : vector<16xf32>
      %swap3A_229 = arith.index_cast %scan3A_136 : i32 to index
      %swap3A_230 = arith.constant 96 : index
      %swap3A_231 = tpu.vector_load %arg14[%swap3A_229, %swap3A_230] {strides = array<i32>} : memref<80x128xf32, #tpu.memory_space<vmem>>, vector<1x16xf32>,
      %swap3A_232 = vector.shape_cast %swap3A_231 : vector<1x16xf32> to vector<16xf32>
      %swap3A_233 = vector.shape_cast %mul3A_228 : vector<16xf32> to vector<1x16xf32>
      tpu.vector_store %arg14[%swap3A_229, %swap3A_230], %swap3A_233 {strides = array<i32>} : memref<80x128xf32, #tpu.memory_space<vmem>>, vector<1x16xf32>,
      %get3A_234 = arith.index_cast %scan3A_136 : i32 to index
      %get3A_235 = arith.constant 112 : index
      %get3A_236 = tpu.vector_load %arg14[%get3A_234, %get3A_235] {strides = array<i32>} : memref<80x128xf32, #tpu.memory_space<vmem>>, vector<1x16xf32>,
      %get3A_237 = vector.shape_cast %get3A_236 : vector<1x16xf32> to vector<16xf32>
      %get3A_238 = arith.index_cast %scan3A_136 : i32 to index
      %get3A_239 = arith.constant 112 : index
      %get3A_240 = tpu.vector_load %arg16[%get3A_238, %get3A_239] {strides = array<i32>} : memref<80x128xf32, #tpu.memory_space<vmem>>, vector<1x16xf32>,
      %get3A_241 = vector.shape_cast %get3A_240 : vector<1x16xf32> to vector<16xf32>
      %mul3A_242 = arith.mulf %get3A_237, %get3A_241 : vector<16xf32>
      %swap3A_243 = arith.index_cast %scan3A_136 : i32 to index
      %swap3A_244 = arith.constant 112 : index
      %swap3A_245 = tpu.vector_load %arg14[%swap3A_243, %swap3A_244] {strides = array<i32>} : memref<80x128xf32, #tpu.memory_space<vmem>>, vector<1x16xf32>,
      %swap3A_246 = vector.shape_cast %swap3A_245 : vector<1x16xf32> to vector<16xf32>
      %swap3A_247 = vector.shape_cast %mul3A_242 : vector<16xf32> to vector<1x16xf32>
      tpu.vector_store %arg14[%swap3A_243, %swap3A_244], %swap3A_247 {strides = array<i32>} : memref<80x128xf32, #tpu.memory_space<vmem>>, vector<1x16xf32>,
    }
    %scan3A_115 = arith.constant 80 : i32
    %run_scoped3A_116 = arith.constant 1 : i32
    %run_scoped3A_117 = arith.constant 4 : i32
    "tpu.region"() ({
      %run_scoped3A_136 = tpu.sem_alloc : memref<!tpu.dma_semaphore, #tpu.memory_space<semaphore_mem>>
      %dma_start3A_137 = arith.constant 0 : i32
      %dma_start3A_138 = arith.constant 0 : i32
      %dma_start3A_139 = tpu.memref_slice %arg12[%run_scoped3A_116, %dma_start3A_137, %dma_start3A_138] : memref<2x8x80xi32, #tpu.memory_space<vmem>> -> memref<1x8x80xi32, #tpu.memory_space<vmem>>
      %dma_start3A_140 = tpu.memref_squeeze %dma_start3A_139 : memref<1x8x80xi32, #tpu.memory_space<vmem>> -> memref<8x80xi32, #tpu.memory_space<vmem>>
      %dma_start3A_141 = arith.constant 0 : i32
      %dma_start3A_142 = tpu.memref_slice %dma_start3A_140[%run_scoped3A_117, %dma_start3A_141] : memref<8x80xi32, #tpu.memory_space<vmem>> -> memref<1x80xi32, #tpu.memory_space<vmem>>
      %dma_start3A_143 = tpu.memref_squeeze %dma_start3A_142 : memref<1x80xi32, #tpu.memory_space<vmem>> -> memref<80xi32, #tpu.memory_space<vmem>>
      %dma_start3A_144 = arith.constant 0 : i32
      %dma_start3A_145 = arith.constant 0 : i32
      %dma_start3A_146 = tpu.memref_slice %arg19[%dma_start3A_144, %dma_start3A_145] : memref<10000x128xf32, #tpu.memory_space<vmem_shared>> -> memref<10000x128xf32, #tpu.memory_space<vmem_shared>>
      tpu.enqueue_indirect_dma source(%arg14 : memref<80x128xf32, #tpu.memory_space<vmem>>) target(%dma_start3A_146 : memref<10000x128xf32, #tpu.memory_space<vmem_shared>>) offsets(%dma_start3A_143 : memref<80xi32, #tpu.memory_space<vmem>>) semaphore(%run_scoped3A_136 : memref<!tpu.dma_semaphore, #tpu.memory_space<semaphore_mem>>) {add = true}
      %dma_wait3A_147 = arith.constant 0 : i32
      %dma_wait3A_148 = arith.constant 0 : i32
      %dma_wait3A_149 = tpu.memref_slice %arg12[%run_scoped3A_116, %dma_wait3A_147, %dma_wait3A_148] : memref<2x8x80xi32, #tpu.memory_space<vmem>> -> memref<1x8x80xi32, #tpu.memory_space<vmem>>
      %dma_wait3A_150 = tpu.memref_squeeze %dma_wait3A_149 : memref<1x8x80xi32, #tpu.memory_space<vmem>> -> memref<8x80xi32, #tpu.memory_space<vmem>>
      %dma_wait3A_151 = arith.constant 0 : i32
      %dma_wait3A_152 = tpu.memref_slice %dma_wait3A_150[%run_scoped3A_117, %dma_wait3A_151] : memref<8x80xi32, #tpu.memory_space<vmem>> -> memref<1x80xi32, #tpu.memory_space<vmem>>
      %dma_wait3A_153 = tpu.memref_squeeze %dma_wait3A_152 : memref<1x80xi32, #tpu.memory_space<vmem>> -> memref<80xi32, #tpu.memory_space<vmem>>
      %dma_wait3A_154 = arith.constant 0 : i32
      %dma_wait3A_155 = arith.constant 0 : i32
      %dma_wait3A_156 = tpu.memref_slice %arg19[%dma_wait3A_154, %dma_wait3A_155] : memref<10000x128xf32, #tpu.memory_space<vmem_shared>> -> memref<10000x128xf32, #tpu.memory_space<vmem_shared>>
      tpu.wait_indirect_dma semaphore(%run_scoped3A_136 : memref<!tpu.dma_semaphore, #tpu.memory_space<semaphore_mem>>) src(%arg14 : memref<80x128xf32, #tpu.memory_space<vmem>>) dst(%dma_wait3A_156 : memref<10000x128xf32, #tpu.memory_space<vmem_shared>>)
      tpu.yield
    }) : () -> ()
    %run_scoped3A_118 = arith.constant 1 : i32
    %run_scoped3A_119 = arith.constant 4 : i32
    "tpu.region"() ({
      %run_scoped3A_136 = tpu.sem_alloc : memref<!tpu.dma_semaphore, #tpu.memory_space<semaphore_mem>>
      %dma_start3A_137 = arith.constant 0 : i32
      %dma_start3A_138 = arith.constant 0 : i32
      %dma_start3A_139 = tpu.memref_slice %arg12[%run_scoped3A_118, %dma_start3A_137, %dma_start3A_138] : memref<2x8x80xi32, #tpu.memory_space<vmem>> -> memref<1x8x80xi32, #tpu.memory_space<vmem>>
      %dma_start3A_140 = tpu.memref_squeeze %dma_start3A_139 : memref<1x8x80xi32, #tpu.memory_space<vmem>> -> memref<8x80xi32, #tpu.memory_space<vmem>>
      %dma_start3A_141 = arith.constant 0 : i32
      %dma_start3A_142 = tpu.memref_slice %dma_start3A_140[%run_scoped3A_119, %dma_start3A_141] : memref<8x80xi32, #tpu.memory_space<vmem>> -> memref<1x80xi32, #tpu.memory_space<vmem>>
      %dma_start3A_143 = tpu.memref_squeeze %dma_start3A_142 : memref<1x80xi32, #tpu.memory_space<vmem>> -> memref<80xi32, #tpu.memory_space<vmem>>
      %dma_start3A_144 = arith.constant 0 : i32
      %dma_start3A_145 = tpu.memref_slice %arg20[%dma_start3A_144] : memref<10000xf32, #tpu.memory_space<vmem_shared>> -> memref<10000xf32, #tpu.memory_space<vmem_shared>>
      tpu.enqueue_indirect_dma source(%arg18 : memref<80xf32, #tpu.memory_space<vmem>>) target(%dma_start3A_145 : memref<10000xf32, #tpu.memory_space<vmem_shared>>) offsets(%dma_start3A_143 : memref<80xi32, #tpu.memory_space<vmem>>) semaphore(%run_scoped3A_136 : memref<!tpu.dma_semaphore, #tpu.memory_space<semaphore_mem>>) {add = true}
      %dma_wait3A_146 = arith.constant 0 : i32
      %dma_wait3A_147 = arith.constant 0 : i32
      %dma_wait3A_148 = tpu.memref_slice %arg12[%run_scoped3A_118, %dma_wait3A_146, %dma_wait3A_147] : memref<2x8x80xi32, #tpu.memory_space<vmem>> -> memref<1x8x80xi32, #tpu.memory_space<vmem>>
      %dma_wait3A_149 = tpu.memref_squeeze %dma_wait3A_148 : memref<1x8x80xi32, #tpu.memory_space<vmem>> -> memref<8x80xi32, #tpu.memory_space<vmem>>
      %dma_wait3A_150 = arith.constant 0 : i32
      %dma_wait3A_151 = tpu.memref_slice %dma_wait3A_149[%run_scoped3A_119, %dma_wait3A_150] : memref<8x80xi32, #tpu.memory_space<vmem>> -> memref<1x80xi32, #tpu.memory_space<vmem>>
      %dma_wait3A_152 = tpu.memref_squeeze %dma_wait3A_151 : memref<1x80xi32, #tpu.memory_space<vmem>> -> memref<80xi32, #tpu.memory_space<vmem>>
      %dma_wait3A_153 = arith.constant 0 : i32
      %dma_wait3A_154 = tpu.memref_slice %arg20[%dma_wait3A_153] : memref<10000xf32, #tpu.memory_space<vmem_shared>> -> memref<10000xf32, #tpu.memory_space<vmem_shared>>
      tpu.wait_indirect_dma semaphore(%run_scoped3A_136 : memref<!tpu.dma_semaphore, #tpu.memory_space<semaphore_mem>>) src(%arg18 : memref<80xf32, #tpu.memory_space<vmem>>) dst(%dma_wait3A_154 : memref<10000xf32, #tpu.memory_space<vmem_shared>>)
      tpu.yield
    }) : () -> ()
    %barrier3A_120 = arith.constant 0 : index
    tpu.barrier barrier_id(%barrier3A_120)
    %lt3A_121 = arith.constant 15 : i32
    %lt3A_122 = arith.cmpi slt, %arg1, %lt3A_121 : i32
    %convert_element_type3A_123 = arith.extui %lt3A_122 : i1 to i32
    %cond3A_124 = arith.constant 0 : i32
    %cond3A_125 = arith.cmpi ne, %convert_element_type3A_123, %cond3A_124 : i32
    scf.if %cond3A_125 {
      "tpu.region"() ({
        %run_scoped3A_136 = tpu.sem_alloc : memref<!tpu.dma_semaphore, #tpu.memory_space<semaphore_mem>>
        %dma_start3A_137 = arith.constant 0 : i32
        %dma_start3A_138 = tpu.memref_slice %arg9[%arg0, %mul3A_2, %dma_start3A_137] : memref<2x10000x128xf32, #tpu.memory_space<hbm>> -> memref<1x624x128xf32, #tpu.memory_space<hbm>>
        %dma_start3A_139 = tpu.memref_squeeze %dma_start3A_138 : memref<1x624x128xf32, #tpu.memory_space<hbm>> -> memref<624x128xf32, #tpu.memory_space<hbm>>
        %dma_start3A_140 = arith.constant 0 : i32
        %dma_start3A_141 = tpu.memref_slice %arg19[%mul3A_2, %dma_start3A_140] : memref<10000x128xf32, #tpu.memory_space<vmem_shared>> -> memref<624x128xf32, #tpu.memory_space<vmem_shared>>
        tpu.enqueue_dma source(%dma_start3A_141 : memref<624x128xf32, #tpu.memory_space<vmem_shared>>) target(%dma_start3A_139 : memref<624x128xf32, #tpu.memory_space<hbm>>) target_semaphore(%run_scoped3A_136 : memref<!tpu.dma_semaphore, #tpu.memory_space<semaphore_mem>>)
        %dma_wait3A_142 = arith.constant 0 : i32
        %dma_wait3A_143 = tpu.memref_slice %arg9[%arg0, %mul3A_2, %dma_wait3A_142] : memref<2x10000x128xf32, #tpu.memory_space<hbm>> -> memref<1x624x128xf32, #tpu.memory_space<hbm>>
        %dma_wait3A_144 = tpu.memref_squeeze %dma_wait3A_143 : memref<1x624x128xf32, #tpu.memory_space<hbm>> -> memref<624x128xf32, #tpu.memory_space<hbm>>
        %dma_wait3A_145 = arith.constant 0 : i32
        %dma_wait3A_146 = tpu.memref_slice %arg19[%mul3A_2, %dma_wait3A_145] : memref<10000x128xf32, #tpu.memory_space<vmem_shared>> -> memref<624x128xf32, #tpu.memory_space<vmem_shared>>
        tpu.wait_dma2 semaphore(%run_scoped3A_136 : memref<!tpu.dma_semaphore, #tpu.memory_space<semaphore_mem>>) src(%dma_wait3A_146 : memref<624x128xf32, #tpu.memory_space<vmem_shared>>) dst(%dma_wait3A_144 : memref<624x128xf32, #tpu.memory_space<hbm>>)
        tpu.yield
      }) : () -> ()
    } else {
    }
    %eq3A_126 = arith.constant 15 : i32
    %eq3A_127 = arith.cmpi eq, %arg1, %eq3A_126 : i32
    %convert_element_type3A_128 = arith.extui %eq3A_127 : i1 to i32
    %cond3A_129 = arith.constant 0 : i32
    %cond3A_130 = arith.cmpi ne, %convert_element_type3A_128, %cond3A_129 : i32
    scf.if %cond3A_130 {
      "tpu.region"() ({
        %run_scoped3A_136 = tpu.sem_alloc : memref<!tpu.dma_semaphore, #tpu.memory_space<semaphore_mem>>
        %dma_start3A_137 = arith.constant 9360 : i32
        %dma_start3A_138 = arith.constant 0 : i32
        %dma_start3A_139 = tpu.memref_slice %arg9[%arg0, %dma_start3A_137, %dma_start3A_138] : memref<2x10000x128xf32, #tpu.memory_space<hbm>> -> memref<1x640x128xf32, #tpu.memory_space<hbm>>
        %dma_start3A_140 = tpu.memref_squeeze %dma_start3A_139 : memref<1x640x128xf32, #tpu.memory_space<hbm>> -> memref<640x128xf32, #tpu.memory_space<hbm>>
        %dma_start3A_141 = arith.constant 9360 : i32
        %dma_start3A_142 = arith.constant 0 : i32
        %dma_start3A_143 = tpu.memref_slice %arg19[%dma_start3A_141, %dma_start3A_142] : memref<10000x128xf32, #tpu.memory_space<vmem_shared>> -> memref<640x128xf32, #tpu.memory_space<vmem_shared>>
        tpu.enqueue_dma source(%dma_start3A_143 : memref<640x128xf32, #tpu.memory_space<vmem_shared>>) target(%dma_start3A_140 : memref<640x128xf32, #tpu.memory_space<hbm>>) target_semaphore(%run_scoped3A_136 : memref<!tpu.dma_semaphore, #tpu.memory_space<semaphore_mem>>)
        %dma_wait3A_144 = arith.constant 9360 : i32
        %dma_wait3A_145 = arith.constant 0 : i32
        %dma_wait3A_146 = tpu.memref_slice %arg9[%arg0, %dma_wait3A_144, %dma_wait3A_145] : memref<2x10000x128xf32, #tpu.memory_space<hbm>> -> memref<1x640x128xf32, #tpu.memory_space<hbm>>
        %dma_wait3A_147 = tpu.memref_squeeze %dma_wait3A_146 : memref<1x640x128xf32, #tpu.memory_space<hbm>> -> memref<640x128xf32, #tpu.memory_space<hbm>>
        %dma_wait3A_148 = arith.constant 9360 : i32
        %dma_wait3A_149 = arith.constant 0 : i32
        %dma_wait3A_150 = tpu.memref_slice %arg19[%dma_wait3A_148, %dma_wait3A_149] : memref<10000x128xf32, #tpu.memory_space<vmem_shared>> -> memref<640x128xf32, #tpu.memory_space<vmem_shared>>
        tpu.wait_dma2 semaphore(%run_scoped3A_136 : memref<!tpu.dma_semaphore, #tpu.memory_space<semaphore_mem>>) src(%dma_wait3A_150 : memref<640x128xf32, #tpu.memory_space<vmem_shared>>) dst(%dma_wait3A_147 : memref<640x128xf32, #tpu.memory_space<hbm>>)
        tpu.yield
      }) : () -> ()
    } else {
    }
    %eq3A_131 = arith.constant 0 : i32
    %eq3A_132 = arith.cmpi eq, %arg1, %eq3A_131 : i32
    %convert_element_type3A_133 = arith.extui %eq3A_132 : i1 to i32
    %cond3A_134 = arith.constant 0 : i32
    %cond3A_135 = arith.cmpi ne, %convert_element_type3A_133, %cond3A_134 : i32
    scf.if %cond3A_135 {
      "tpu.region"() ({
        %run_scoped3A_136 = tpu.sem_alloc : memref<!tpu.dma_semaphore, #tpu.memory_space<semaphore_mem>>
        %dma_start3A_137 = arith.constant 0 : i32
        %dma_start3A_138 = tpu.memref_slice %arg10[%arg0, %dma_start3A_137] : memref<2x10000xf32, #tpu.memory_space<hbm>> -> memref<1x10000xf32, #tpu.memory_space<hbm>>
        %dma_start3A_139 = tpu.memref_squeeze %dma_start3A_138 : memref<1x10000xf32, #tpu.memory_space<hbm>> -> memref<10000xf32, #tpu.memory_space<hbm>>
        tpu.enqueue_dma source(%arg20 : memref<10000xf32, #tpu.memory_space<vmem_shared>>) target(%dma_start3A_139 : memref<10000xf32, #tpu.memory_space<hbm>>) target_semaphore(%run_scoped3A_136 : memref<!tpu.dma_semaphore, #tpu.memory_space<semaphore_mem>>)
        %dma_wait3A_140 = arith.constant 0 : i32
        %dma_wait3A_141 = tpu.memref_slice %arg10[%arg0, %dma_wait3A_140] : memref<2x10000xf32, #tpu.memory_space<hbm>> -> memref<1x10000xf32, #tpu.memory_space<hbm>>
        %dma_wait3A_142 = tpu.memref_squeeze %dma_wait3A_141 : memref<1x10000xf32, #tpu.memory_space<hbm>> -> memref<10000xf32, #tpu.memory_space<hbm>>
        tpu.wait_dma2 semaphore(%run_scoped3A_136 : memref<!tpu.dma_semaphore, #tpu.memory_space<semaphore_mem>>) src(%arg20 : memref<10000xf32, #tpu.memory_space<vmem_shared>>) dst(%dma_wait3A_142 : memref<10000xf32, #tpu.memory_space<hbm>>)
        tpu.yield
      }) : () -> ()
    } else {
    }
    return
  }
}

module attributes {stable_mosaic.version = 14 : i64} {
  func.func @_tc_finish_body(%arg0: i32, %arg1: memref<2x1000x128xf32, #tpu.memory_space<vmem>>, %arg2: memref<2x1000x1xf32, #tpu.memory_space<vmem>>, %arg3: memref<1000x128xf32, #tpu.memory_space<vmem>>, %arg4: memref<128x128xf32, #tpu.memory_space<vmem>>, %arg5: memref<128x128xf32, #tpu.memory_space<vmem>>, %arg6: memref<1x128xf32, #tpu.memory_space<vmem>>, %arg7: memref<1000x128xf32, #tpu.memory_space<vmem>>) attributes {dimension_semantics = [#tpu.dimension_semantics<arbitrary>], iteration_bounds = array<i64: 10>, scalar_prefetch = 0 : i64, scratch_operands = 0 : i64, tpu.core_type = #tpu.core_type<tc>, window_params = [{transform_indices = @transform_0, window_bounds = array<i64: 2, 1000, 128>}, {transform_indices = @transform_1, window_bounds = array<i64: 2, 1000, 1>}, {transform_indices = @transform_2, window_bounds = array<i64: 1000, 128>}, {pipeline_mode = #tpu.pipeline_mode<synchronous>, transform_indices = @transform_3, window_bounds = array<i64: 128, 128>}, {pipeline_mode = #tpu.pipeline_mode<synchronous>, transform_indices = @transform_4, window_bounds = array<i64: 128, 128>}, {pipeline_mode = #tpu.pipeline_mode<synchronous>, transform_indices = @transform_5, window_bounds = array<i64: 1, 128>}, {transform_indices = @transform_6, window_bounds = array<i64: 1000, 128>}]} {
    %get3A = arith.constant 0 : index
    %get3A_0 = arith.constant 0 : index
    %get3A_1 = arith.constant 0 : index
    %get3A_2 = vector.load %arg1[%get3A, %get3A_0, %get3A_1] : memref<2x1000x128xf32, #tpu.memory_space<vmem>>, vector<1x1000x128xf32>
    %get3A_3 = vector.shape_cast %get3A_2 : vector<1x1000x128xf32> to vector<1000x128xf32>
    %get3A_4 = arith.constant 1 : index
    %get3A_5 = arith.constant 0 : index
    %get3A_6 = arith.constant 0 : index
    %get3A_7 = vector.load %arg1[%get3A_4, %get3A_5, %get3A_6] : memref<2x1000x128xf32, #tpu.memory_space<vmem>>, vector<1x1000x128xf32>
    %get3A_8 = vector.shape_cast %get3A_7 : vector<1x1000x128xf32> to vector<1000x128xf32>
    %add3A = arith.addf %get3A_3, %get3A_8 : vector<1000x128xf32>
    %get3A_9 = arith.constant 0 : index
    %get3A_10 = arith.constant 0 : index
    %get3A_11 = arith.constant 0 : index
    %get3A_12 = vector.load %arg2[%get3A_9, %get3A_10, %get3A_11] : memref<2x1000x1xf32, #tpu.memory_space<vmem>>, vector<1x1000x1xf32>
    %get3A_13 = vector.shape_cast %get3A_12 : vector<1x1000x1xf32> to vector<1000xf32>
    %get3A_14 = arith.constant 1 : index
    %get3A_15 = arith.constant 0 : index
    %get3A_16 = arith.constant 0 : index
    %get3A_17 = vector.load %arg2[%get3A_14, %get3A_15, %get3A_16] : memref<2x1000x1xf32, #tpu.memory_space<vmem>>, vector<1x1000x1xf32>
    %get3A_18 = vector.shape_cast %get3A_17 : vector<1x1000x1xf32> to vector<1000xf32>
    %add3A_19 = arith.addf %get3A_13, %get3A_18 : vector<1000xf32>
    %max3A = arith.constant 1.000000e+00 : f32
    %max3A_20 = vector.broadcast %max3A : f32 to vector<1000xf32>
    %max3A_21 = arith.maximumf %add3A_19, %max3A_20 : vector<1000xf32>
    %div3A = arith.constant 1.000000e+00 : f32
    %div3A_22 = vector.broadcast %div3A : f32 to vector<1000xf32>
    %div3A_23 = arith.divf %div3A_22, %max3A_21 : vector<1000xf32>
    %broadcast_in_dim3A = vector.shape_cast %div3A_23 : vector<1000xf32> to vector<1000x1xf32>
    %mul3A = vector.broadcast %broadcast_in_dim3A : vector<1000x1xf32> to vector<1000x128xf32>
    %mul3A_24 = arith.mulf %add3A, %mul3A : vector<1000x128xf32>
    %get3A_25 = arith.constant 0 : index
    %get3A_26 = arith.constant 0 : index
    %get3A_27 = vector.load %arg4[%get3A_25, %get3A_26] : memref<128x128xf32, #tpu.memory_space<vmem>>, vector<128x128xf32>
    %dot_general3A = arith.constant dense<0.000000e+00> : vector<1000x128xf32>
    %dot_general3A_28 = tpu.matmul %mul3A_24, %get3A_27, %dot_general3A {dimension_numbers = #tpu.dot_dimension_numbers<[1], [0], [0], [1], [0, 0, 1, 1], [], []>, transpose_lhs_hint = false} : vector<1000x128xf32>, vector<128x128xf32>, vector<1000x128xf32> -> vector<1000x128xf32>
    %get3A_29 = arith.constant 0 : index
    %get3A_30 = arith.constant 0 : index
    %get3A_31 = vector.load %arg3[%get3A_29, %get3A_30] : memref<1000x128xf32, #tpu.memory_space<vmem>>, vector<1000x128xf32>
    %get3A_32 = arith.constant 0 : index
    %get3A_33 = arith.constant 0 : index
    %get3A_34 = vector.load %arg5[%get3A_32, %get3A_33] : memref<128x128xf32, #tpu.memory_space<vmem>>, vector<128x128xf32>
    %dot_general3A_35 = arith.constant dense<0.000000e+00> : vector<1000x128xf32>
    %dot_general3A_36 = tpu.matmul %get3A_31, %get3A_34, %dot_general3A_35 {dimension_numbers = #tpu.dot_dimension_numbers<[1], [0], [0], [1], [0, 0, 1, 1], [], []>, transpose_lhs_hint = false} : vector<1000x128xf32>, vector<128x128xf32>, vector<1000x128xf32> -> vector<1000x128xf32>
    %add3A_37 = arith.addf %dot_general3A_28, %dot_general3A_36 : vector<1000x128xf32>
    %get3A_38 = arith.constant 0 : index
    %get3A_39 = arith.constant 0 : index
    %get3A_40 = vector.load %arg6[%get3A_38, %get3A_39] : memref<1x128xf32, #tpu.memory_space<vmem>>, vector<1x128xf32>
    %add3A_41 = vector.broadcast %get3A_40 : vector<1x128xf32> to vector<1000x128xf32>
    %add3A_42 = arith.addf %add3A_37, %add3A_41 : vector<1000x128xf32>
    %tanh3A = math.tanh %add3A_42 : vector<1000x128xf32>
    %swap3A = arith.constant 0 : index
    %swap3A_43 = arith.constant 0 : index
    %swap3A_44 = vector.load %arg7[%swap3A, %swap3A_43] : memref<1000x128xf32, #tpu.memory_space<vmem>>, vector<1000x128xf32>
    tpu.vector_store %arg7[%swap3A, %swap3A_43], %tanh3A {strides = array<i32>} : memref<1000x128xf32, #tpu.memory_space<vmem>>, vector<1000x128xf32>,
    return
  }
  func.func @transform_0(%arg0: i32) -> (i32, i32, i32) {
    %c0_i32 = arith.constant 0 : i32
    %c0_i32_0 = arith.constant 0 : i32
    %c0_i32_1 = arith.constant 0 : i32
    return %c0_i32, %arg0, %c0_i32_0 : i32, i32, i32
  }
  func.func @transform_1(%arg0: i32) -> (i32, i32, i32) {
    %c0_i32 = arith.constant 0 : i32
    %c0_i32_0 = arith.constant 0 : i32
    %c0_i32_1 = arith.constant 0 : i32
    return %c0_i32, %arg0, %c0_i32_0 : i32, i32, i32
  }
  func.func @transform_2(%arg0: i32) -> (i32, i32) {
    %c0_i32 = arith.constant 0 : i32
    %c0_i32_0 = arith.constant 0 : i32
    return %arg0, %c0_i32 : i32, i32
  }
  func.func @transform_3(%arg0: i32) -> (i32, i32) {
    %c0_i32 = arith.constant 0 : i32
    %c0_i32_0 = arith.constant 0 : i32
    %c0_i32_1 = arith.constant 0 : i32
    return %c0_i32, %c0_i32_0 : i32, i32
  }
  func.func @transform_4(%arg0: i32) -> (i32, i32) {
    %c0_i32 = arith.constant 0 : i32
    %c0_i32_0 = arith.constant 0 : i32
    %c0_i32_1 = arith.constant 0 : i32
    return %c0_i32, %c0_i32_0 : i32, i32
  }
  func.func @transform_5(%arg0: i32) -> (i32, i32) {
    %c0_i32 = arith.constant 0 : i32
    %c0_i32_0 = arith.constant 0 : i32
    %c0_i32_1 = arith.constant 0 : i32
    return %c0_i32, %c0_i32_0 : i32, i32
  }
  func.func @transform_6(%arg0: i32) -> (i32, i32) {
    %c0_i32 = arith.constant 0 : i32
    %c0_i32_0 = arith.constant 0 : i32
    return %arg0, %c0_i32 : i32, i32
  }
}

</mosaic_0001>

<sc_bundles>
// kernel: kernel.4.cloned.1.call-start
scs
__scs_entry_jumppad:
0x0: {  	(pc) =	sbr.rel $0x88, $3  }
0x1: {  	(tag) =	ssettag $0x0;
	lr =	simm.s32 $0x1  }
0x2: {  	[smem:$0x3F9A] =	sst lr;
	_ =	strace $0xD0000000  }
0x3: {  	_ = 	snop  }
0x4: {  	_ = 	snop  }
0x5: {  	_ = 	snop  }
0x6: {  	_ = 	snop  }
0x7: {  	_ = 	snop  }
__scs_overlays_trampoline_lowered:
0x8: {  	[smem:$0x3FA9] =	sst s0  }
0x9: {  	[smem:$0x3FAA] =	sst s1  }
0xa: {  	[smem:$0x3FAB] =	sst s2  }
0xb: {  	[smem:$0x3FAC] =	sst s3  }
0xc: {  	[smem:$0x3FAD] =	sst s4  }
0xd: {  	[smem:$0x3FAE] =	sst s5  }
0xe: {  	[smem:$0x3FAF] =	sst s6  }
0xf: {  	[smem:$0x3FB0] =	sst s7  }
0x10: {  	[smem:$0x3FB1] =	sst s8  }
0x11: {  	[smem:$0x3FB2] =	sst s9;
	s0 =	simm.s32 @!p0 $0x0  }
0x12: {  	s1 =	sld [smem:$0x3F98];
	s0 =	simm.s32 @p0 $0x1  }
0x13: {  	[smem:$0x3FB3] =	sst s0;
	s0 =	simm.s32 @!p1 $0x0  }
0x14: {  	s2 =	sld [smem:$0x3F97];
	s0 =	simm.s32 @p1 $0x1  }
0x15: {  	[smem:$0x3FB4] =	sst s0;
	s0 =	simm.s32 @!p2 $0x0  }
0x16: {  	s3 =	sld [smem:$0x3FDB];
	s0 =	simm.s32 @p2 $0x1  }
0x17: {  	s4 =	simm.s32 $0x1BF5;
	[smem:$0x3FB6] =	sst s0  }
0x18: {  	s0 =	sld [smem:$0x3F99];
	_ =	swait.ge [sflag:s4], $0x0  }
0x19: {  	s7 =	sld [smem:$0x3F9A]  }
0x1a: {  	s8 =	sadd.s32 $0xFFFFE003, lr  }
0x1b: {  	s9 =	sadd.s32 $0xFFFFFEF7, lr;
	s5 =	simm.s32 $0xFFFFFFFF;
	p2 =	slt.u32 s8, $0xFFFFF086  }
0x1c: {  	p1 =	slt.u32 s9, $0xF7A;
	s5 =	simm.s32 @!p2 $0x0  }
0x1d: {  	s5 =	simm.s32 @p1 $0x1;
	p0 =	seq.s32 s7, s2  }
0x1e: {  	s7 =	smul.u32 @!p0 $0xF7A, s2;
	p2 =	seq.s32 @!p0 s5, $0x0  }
0x1f: {  	s9 =	smul.u32 $0xF7A, s1;
	s8 =	simm.s32 @!p0 $0x1BF5;
	p2 =	por !p2, p0  }
0x20: {  	[sflag:s8] =	ssyncset.s32 @!p0 $0xFFFFF086;
	s6 =	sadd.s32 @!p0 s3, s7;
	s7 =	simm.s32 @!p0 $0x108  }
0x21: {  	s3 =	sadd.s32 s3, s9;
	s6 =	sadd.s32 @!p0 $0x88, s6;
	s7 =	simm.s32 @p2 $0x1082  }
0x22: {  	[simem:s7], [sflag:s8] =	dma.local @!p0 [hbm:s6], $0xF7A  }
0x23: {  	s9 =	sor.u32 $0xD0000000, s2;
	s6 =	simm.s32 $0x108;
	_ =	swait.ge @!p0 [sflag:s8], $0x0  }
0x24: {  	s3 =	sadd.s32 $0x88, s3;
	s6 =	simm.s32 @!p1 $0x1082;
	[sflag:s4] =	ssyncset.s32 $0xFFFFF086  }
0x25: {  	[simem:s6], [sflag:s4] =	dma.local [hbm:s3], $0xF7A  }
0x26: {  	[smem:$0x3F9A] =	sst s1;
	(tag) =	ssettag s2;
	_ =	strace s9  }
0x27: {  	s1 =	sld [smem:$0x3FAA]  }
0x28: {  	s2 =	sld [smem:$0x3FAB]  }
0x29: {  	s4 =	sld [smem:$0x3FAD]  }
0x2a: {  	p0 =	seq.s32 s5, $0x0;
	s5 =	sld [smem:$0x3FAE]  }
0x2b: {  	s6 =	sld [smem:$0x3FAF]  }
0x2c: {  	s7 =	sld [smem:$0x3FB0]  }
0x2d: {  	s3 =	simm.s32 $0x108;
	s8 =	sld [smem:$0x3FB1]  }
0x2e: {  	s3 =	simm.s32 @!p0 $0x1082;
	s9 =	sld [smem:$0x3FB2]  }
0x2f: {  	lr =	sadd.s32 s0, s3;
	s0 =	sld [smem:$0x3FA9]  }
0x30: {  	s3 =	sld [smem:$0x3FAC]  }
0x31: {  	[smem:$0x3FB5] =	sst s10  }
0x32: {  	s10 =	sld [smem:$0x3FB3];
	_ =	sdelay $0x3  }
0x33: {  	p0 =	seq.s32 s10, $0x1;
	s10 =	sld [smem:$0x3FB5];
	_ =	sdelay $0x3  }
0x34: {  	[smem:$0x3FB5] =	sst s10  }
0x35: {  	s10 =	sld [smem:$0x3FB4];
	_ =	sdelay $0x3  }
0x36: {  	p1 =	seq.s32 s10, $0x1;
	s10 =	sld [smem:$0x3FB5];
	_ =	sdelay $0x3  }
0x37: {  	[smem:$0x3FB5] =	sst s10  }
0x38: {  	s10 =	sld [smem:$0x3FB6]  }
0x39: {  	_ = 	snop;
	(pc) =	sbr.ind lr, $3  }
0x3a: {  	_ = 	snop  }
0x3b: {  	_ = 	snop  }
0x3c: {  	p2 =	seq.s32 s10, $0x1;
	s10 =	sld [smem:$0x3FB5]  }
0x3d: {  	_ =	shalt  }
0x3e: {  	_ =	shalt  }
0x3f: {  	_ =	shalt  }
0x40: {  	_ =	shalt  }
0x41: {  	_ =	shalt  }
0x42: {  	_ =	shalt  }
0x43: {  	_ =	shalt  }
0x44: {  	_ =	shalt  }
0x45: {  	_ =	shalt  }
0x46: {  	_ =	shalt  }
0x47: {  	_ =	shalt  }
0x48: {  	_ =	shalt  }
0x49: {  	_ =	shalt  }
0x4a: {  	_ =	shalt  }
0x4b: {  	_ =	shalt  }
0x4c: {  	_ =	shalt  }
0x4d: {  	_ =	shalt  }
0x4e: {  	_ =	shalt  }
0x4f: {  	_ =	shalt  }
0x50: {  	_ =	shalt  }
0x51: {  	_ =	shalt  }
0x52: {  	_ =	shalt  }
0x53: {  	_ =	shalt  }
0x54: {  	_ =	shalt  }
0x55: {  	_ =	shalt  }
0x56: {  	_ =	shalt  }
0x57: {  	_ =	shalt  }
0x58: {  	_ =	shalt  }
0x59: {  	_ =	shalt  }
0x5a: {  	_ =	shalt  }
0x5b: {  	_ =	shalt  }
0x5c: {  	_ =	shalt  }
0x5d: {  	_ =	shalt  }
0x5e: {  	_ =	shalt  }
0x5f: {  	_ =	shalt  }
0x60: {  	_ =	shalt  }
0x61: {  	_ =	shalt  }
0x62: {  	_ =	shalt  }
0x63: {  	_ =	shalt  }
0x64: {  	_ =	shalt  }
0x65: {  	_ =	shalt  }
0x66: {  	_ =	shalt  }
0x67: {  	_ =	shalt  }
0x68: {  	_ =	shalt  }
0x69: {  	_ =	shalt  }
0x6a: {  	_ =	shalt  }
0x6b: {  	_ =	shalt  }
0x6c: {  	_ =	shalt  }
0x6d: {  	_ =	shalt  }
0x6e: {  	_ =	shalt  }
0x6f: {  	_ =	shalt  }
0x70: {  	_ =	shalt  }
0x71: {  	_ =	shalt  }
0x72: {  	_ =	shalt  }
0x73: {  	_ =	shalt  }
0x74: {  	_ =	shalt  }
0x75: {  	_ =	shalt  }
0x76: {  	_ =	shalt  }
0x77: {  	_ =	shalt  }
0x78: {  	_ =	shalt  }
0x79: {  	_ =	shalt  }
0x7a: {  	_ =	shalt  }
0x7b: {  	_ =	shalt  }
0x7c: {  	_ =	shalt  }
0x7d: {  	_ =	shalt  }
0x7e: {  	_ =	shalt  }
0x7f: {  	_ =	shalt  }
0x80: {  	_ =	shalt  }
0x81: {  	_ =	shalt  }
0x82: {  	_ =	shalt  }
0x83: {  	_ =	shalt  }
0x84: {  	_ =	shalt  }
0x85: {  	_ =	shalt  }
0x86: {  	_ =	shalt  }
0x87: {  	_ =	shalt  }
.Lfunc_end0:
.L_simem_size_0:
called_computation_lowered:
.L_overlay_start_0:
0x88: {  	s2 =	sld [smem:$0x3FD9]  }
0x89: {  	s3 =	sld [smem:$0x3FFE];
	_ =	sdelay $0x1  }
0x8a: {  	s1 =	srdreg.scid  }
0x8b: {  	s0 =	sand.u32 $0x1, s1  }
0x8c: {  	s17 =	sshll.u32 s0, $0xA;
	s2 =	sadd.s32 s3, s2  }
0x8d: {  	s2 =	sadd.s32 s2, s17  }
0x8e: {  	[smem:$0x3FC1] =	sst s2  }
0x8f: {  	_ = 	snop  }
0x90: {  	s2 =	sld [smem:$0x3FC9]  }
0x91: {  	s18 =	sld [smem:$0x3FC4]  }
0x92: {  	s4 =	sld [smem:$0x3FD0];
	(tm) =	ssettm $0x1  }
0x93: {  	s5 =	sld [smem:$0x3FFB];
	_ =	sdelay $0x3  }
0x94: {  	_ =	strace s5  }
0x95: {  	s5 =	sld [smem:$0x3FFC];
	_ =	sdelay $0x3  }
0x96: {  	_ =	strace s5  }
0x97: {  	s5 =	sld [smem:$0x3FFD];
	_ =	sdelay $0x3  }
0x98: {  	_ =	strace s5  }
0x99: {  	_ =	strace $0x8FFFFFFF  }
0x9a: {  	s19 =	sld [smem:$0x3FDB];
	_ =	sdelay $0x1  }
0x9b: {  	s6 =	simm.s32 $_scs_section_size  }
0x9c: {  	s7 =	simm.s32 $_size__tile_overlayer_lowered;
	s8 =	simm.s32 $_tile_overlayer_lowered  }
0x9d: {  	s22 =	simm.s32 $0x1BFF;
	s21 =	sshll.u32 s8, $0x1;
	s5 =	sadd.s32 s6, s19  }
0x9e: {  	s9 =	simm.s32 $0x0;
	s20 =	sshll.u32 s7, $0x1;
	s7 =	sadd.s32 s21, s5  }
0x9f: {  	[timem:s9], [sflag:s22] =	dma.local [hbm:s7], s20  }
0xa0: {  	_ =	swait.ge [sflag:s22], s20  }
0xa1: {  	s6 =	ssub.s32 $0x0, s20;
	[sflag:s22] =	ssyncset.done $0x0  }
0xa2: {  	[sflag:s22] =	ssyncadd.s32 s6;
	_ =	sdelay $0x1  }
0xa3: {  	s23 =	simm.s32 $0x1B8B  }
0xa4: {  	_ =	swait.ge [sflag:s23], $0x1  }
0xa5: {  	[sflag:s23] =	ssyncset.done $0x0  }
0xa6: {  	s25 =	simm.s32 $0x1B8E;
	s24 =	sld [smem:$0x3FFE];
	[sflag:s23] =	ssyncadd.s32 $0xFFFFFFFF  }
0xa7: {  	s26 =	simm.s32 $execute0_lowered;
	[smem:$0x3FD2] =	sst s25  }
0xa8: {  	s7 =	sshll.u32 s26, $0x1;
	_ =	strace $0x80000046;
	[dreg:$0x1] =	wrdreg $0xFFFFFFFF  }
0xa9: {  	s28 =	simm.s32 $_size_execute0_lowered;
	s5 =	sadd.s32 s5, s7;
	[dreg:$0x0] =	wrdreg $0x0  }
0xaa: {  	s7 =	sshll.u32 s28, $0x1;
	[dreg:$0x2] =	wrdreg s5  }
0xab: {  	[dreg:$0x3] =	wrdreg s7  }
0xac: {  	[dreg:$0x4] =	wrdreg $0xC0  }
0xad: {  	_ =	task [dreg:s9], $0x5FFFF  }
0xae: {  	[dreg:$0x1] =	wrdreg $0xFFFFFFFF  }
0xaf: {  	[dreg:$0x0] =	wrdreg $0x60  }
0xb0: {  	[dreg:$0x2] =	wrdreg s24  }
0xb1: {  	[dreg:$0x3] =	wrdreg s2  }
0xb2: {  	[dreg:$0x4] =	wrdreg s18  }
0xb3: {  	[dreg:$0x5] =	wrdreg s4  }
0xb4: {  	[dreg:$0x6] =	wrdreg $0xB8800  }
0xb5: {  	[dreg:$0x7] =	wrdreg $0x1F3780  }
0xb6: {  	[dreg:$0x8] =	wrdreg $0x1F1000  }
0xb7: {  	[dreg:$0x9] =	wrdreg $0x9  }
0xb8: {  	_ =	task.clear_ibuf [dreg:s9], $0xAFFFF;
	_ =	strace $0x90000046  }
0xb9: {  	s29 =	simm.s32 $0x9;
	_ =	strace $0x80000048  }
0xba: {  	_ =	swait.ge [sflag:s29], $0x1  }
0xbb: {  	[sflag:s29] =	ssyncadd.s32 $0xFFFFFFFF  }
0xbc: {  	_ =	strace $0x90000048  }
0xbd: {  	_ =	sfence  }
0xbe: {  	s30 =	sld [smem:$0x0];
	_ =	sdelay $0x2  }
0xbf: {  	s31 =	sshll.u32 s1, $0xD;
	s1 =	sshrl.u32 s1, $0x2  }
0xc0: {  	s3 =	sand.u32 $0x4000, s31;
	s1 =	sadd.s32 s1, s30  }
0xc1: {  	s0 =	sor.u32 s3, s0;
	s1 =	sshll.u32 s1, $0x11  }
0xc2: {  	s0 =	sor.u32 s1, s0  }
0xc3: {  	s0 =	sadd.s32 $0x8F2B, s0  }
0xc4: {  	[sflag:s0] =	ssyncadd.remote.s32 $0x1  }
0xc5: {  	_ =	sfence.sel $0xFFFF  }
0xc6: {  	[dreg:$0x0] =	wrdreg $0xFFFFFFFF;
	(pc) =	sbr.abs _section_cstart, $3  }
0xc7: {  	[dreg:$0x1] =	wrdreg $0xFFFFFFFF  }
0xc8: {  	_ =	task.clear_ibuf [dreg:s9], $0x2FFFF;
	_ =	strace $0x9FFFFFFF  }
0xc9: {  	(tm) =	ssettm $0x7FFFFFFF  }
tec
execute0_lowered:
.L_overlay_start_1:
0x0: {  	(tag) =	ssettag $0x1  }
0x1: {  	s0 =	rddreg [dreg:$0x0]  }
0x2: {  	s1 =	rddreg [dreg:$0x1]  }
0x3: {  	s2 =	rddreg [dreg:$0x3]  }
0x4: {  	s3 =	rddreg [dreg:$0x4]  }
0x5: {  	s4 =	rddreg [dreg:$0x5]  }
0x6: {  	s5 =	rddreg [dreg:$0x6]  }
0x7: {  	s6 =	simm.s32 $0x0;
	s24 =	srdreg.scid;
	s22 =	stileid.u32  }
0x8: {  	s28 =	simm.s32 $0x50;
	s29 =	simm.s32 $0x1800;
	s30 =	simm.s32 $0x6800  }
0x9: {  	s31 =	simm.s32 $0x4000;
	[smem:$0x7FF] =	sst s6;
	s7 =	sadd.s32 $0x21200, s0  }
0xa: {  	s8 =	sadd.s32 $0x11200, s0;
	s10 =	sadd.s32 $0x1200, s0;
	s9 =	sadd.s32 $0x31200, s0  }
0xb: {  	s6 =	sand.u32 $0x1, s24;
	s13 =	smul.u32 $0x4E000, s22;
	s15 =	sadd.s32 $0x32200, s0  }
0xc: {  	s17 =	sshll.u32 s22, $0xE;
	s23 =	smul.u32 $0x13800, s22;
	p0 =	sne.s32 s22, $0xF  }
0xd: {  	_ =	strace $0x80000047;
	[dreg:$0x8] =	wrdreg s9;
	s11 =	sshll.u32 s6, $0x4  }
0xe: {  	s12 =	ssub.s32 $0x2, s6;
	s9 =	smul.u32 $0x2700, s22;
	s16 =	sshll.u32 s6, $0x12  }
0xf: {  	s6 =	smul.u32 $0x138800, s6;
	p3 =	seq.s32 @p0 s22, $0x1;
	s0 =	sadd.s32 s11, s0  }
0x10: {  	s25 =	sshrl.u32 s12, $0x1;
	s26 =	sshrl.u32 s13, $0x2;
	s18 =	sor.u32 s17, s16  }
0x11: {  	p1 =	por p3, !p0;
	s13 =	simm.s32 $0x4;
	s16 =	simm.s32 $0x6  }
0x12: {  	s11 =	ssub.s32 s12, s25;
	s12 =	sadd.s32 s26, s3;
	s14 =	sadd.s32 s2, s9  }
0x13: {  	s2 =	sadd.s32 $0x24900, s2;
	s19 =	sshrl.u32 s18, $0x3;
	s24 =	sadd.s32 s23, s6  }
0x14: {  	s6 =	sshrl.u32 s6, $0x3;
	p4 =	sne.s32 @!p1 s22, $0x0;
	s0 =	sadd.s32 $0x31800, s0  }
0x15: {  	p1 =	por !p3, !p0;
	[dreg:$0x9] =	wrdreg s14;
	s14 =	sadd.s32 $0x124800, s3  }
0x16: {  	[dreg:$0xa] =	wrdreg s2;
	s20 =	sadd.s32 s7, s19;
	s21 =	sadd.s32 s8, s19  }
0x17: {  	s2 =	sadd.s32 s10, s19;
	s19 =	sor.u32 $0x400, s18;
	s6 =	sadd.s32 s15, s6  }
0x18: {  	[dreg:$0x10] =	wrdreg s0;
	s26 =	smax.u32 s11, $0x1;
	p2 =	por @p0 p4, p3  }
0x19: {  	p3 =	por @p0 !p4, p3;
	p4 =	seq.s32 s22, $0xF;
	[dreg:$0xb] =	wrdreg s20  }
0x1a: {  	s11 =	simm.s32 $0x2;
	s18 =	simm.s32 $0x0;
	[dreg:$0xc] =	wrdreg s21  }
0x1b: {  	[dreg:$0xd] =	wrdreg s2;
	s2 =	sshrl.u32 s24, $0x3;
	s25 =	sadd.s32 $0x24900, s6  }
0x1c: {  	[dreg:$0x11] =	wrdreg s26;
	p2 =	por p2, !p0;
	s24 =	simm.s32 $0x8  }
0x1d: {  	s26 =	simm.s32 $0xB800;
	s2 =	sadd.s32 s15, s2;
	s0 =	simm.s32 @!p2 $0x0  }
0x1e: {  	[dreg:$0xf] =	wrdreg s25;
	s0 =	simm.s32 @p2 $0x1;
	p2 =	por !p3, !p0  }
0x1f: {  	s25 =	simm.s32 $0x3;
	[smem:$0x7FC] =	sst s0;
	s0 =	simm.s32 @!p2 $0x0  }
0x20: {  	s15 =	simm.s32 $0x5;
	[dreg:$0xe] =	wrdreg s2;
	s0 =	simm.s32 @p2 $0x1  }
0x21: {  	v0 =	vimm.f32 $1.000000000e+00;
	s2 =	simm.s32 $0x1;
	[smem:$0x7FD] =	sst s0;
	s0 =	simm.s32 $0x9000  }
.LBB2_1:
0x22: {  	s6 =	sshll.u32 @p0 s22, $0x6  }
0x23: {  	s17 =	sshrl.u32 @p0 s12, $0x3;
	s9 =	rddreg [dreg:$0x9];
	s6 =	sor.u32 @p0 $0x1C08, s6  }
0x24: {  	[spmem:s17], [sflag:s6] =	dma.local @p0 [hbm:s9], $0x2700  }
0x25: {  	s6 =	simm.s32 @p0 $0x8  }
0x26: {  	_ =	swait.ge @p0 [sflag:s6], $0x2700  }
0x27: {  	[sflag:s6] =	ssyncset.done @p0 $0x0  }
0x28: {  	[sflag:s6] =	ssyncadd.s32 @p0 $0xFFFFD900  }
0x29: {  	s17 =	simm.s32 @!p1 $0x1C48;
	s6 =	sshrl.u32 @!p1 s4, $0x3;
	s9 =	rddreg [dreg:$0x2]  }
0x2a: {  	[spmem:s6], [sflag:s17] =	dma.local @!p1 [hbm:s9], $0x640  }
0x2b: {  	s6 =	simm.s32 @!p1 $0x8  }
0x2c: {  	_ =	swait.ge @!p1 [sflag:s6], $0x640  }
0x2d: {  	s22 =	sld [smem:$0x7FC];
	_ =	sdelay $0x2  }
0x2e: {  	[sflag:s6] =	ssyncset.done @!p1 $0x0;
	s9 =	rddreg [dreg:$0x8];
	p2 =	seq.s32 s22, $0x1  }
0x2f: {  	[sflag:s6] =	ssyncadd.s32 @!p1 $0xFFFFF9C0;
	s6 =	sshrl.u32 @!p2 s5, $0x3;
	s17 =	simm.s32 @!p2 $0x1C08  }
0x30: {  	[spmem:s6], [sflag:s17] =	dma.local @!p2 [hbm:s9], $0x4F0  }
0x31: {  	s6 =	simm.s32 @!p2 $0x8  }
0x32: {  	_ =	swait.ge @!p2 [sflag:s6], $0x4F0  }
0x33: {  	s17 =	simm.s32 @!p0 $0x1FC8;
	[sflag:s6] =	ssyncset.done @!p2 $0x0  }
0x34: {  	s9 =	rddreg [dreg:$0xa];
	[sflag:s6] =	ssyncadd.s32 @!p2 $0xFFFFFB10;
	s6 =	sshrl.u32 @!p0 s14, $0x3  }
0x35: {  	[spmem:s6], [sflag:s17] =	dma.local @!p0 [hbm:s9], $0x2800  }
0x36: {  	s6 =	simm.s32 @!p0 $0x8  }
0x37: {  	_ =	swait.ge @!p0 [sflag:s6], $0x2800  }
0x38: {  	[sflag:s6] =	ssyncset.done @!p0 $0x0  }
0x39: {  	[sflag:s6] =	ssyncadd.s32 @!p0 $0xFFFFD800  }
0x3a: {  	[tilespmem:$0xB800] =	vst v0  }
0x3b: {  	[tilespmem:$0xB810] =	vst v0  }
0x3c: {  	[tilespmem:$0xB820] =	vst v0  }
0x3d: {  	[tilespmem:$0xB830] =	vst v0  }
0x3e: {  	[tilespmem:$0xB840] =	vst v0  }
0x3f: {  	[bflag:$0x0] =	sbarrier.arrive $0xFFFF  }
0x40: {  	s6 =	simm.s32 $0x0;
	s23 =	rddreg [dreg:$0xb]  }
0x41: {  	[tilespmem:s6], [sflag:$0x8] =	stream.linear.gather [hbm4b:s23+s6], $0x400, $0x38;
	[tilespmem:$0x1F6B8] =	vst v63  }
0x42: {  	_ =	swait.ge [sflag:s24], $0x400  }
0x43: {  	[sflag:s24] =	ssyncset.done $0x0  }
0x44: {  	s20 =	simm.s32 $0x800;
	s17 =	rddreg [dreg:$0xc];
	[sflag:s24] =	ssyncadd.s32 $0xFFFFFC00  }
0x45: {  	[tilespmem:s20], [sflag:$0x8] =	stream.linear.gather [hbm4b:s17+s6], $0x400, $0x38;
	[tilespmem:$0x1F6B8] =	vst v63  }
0x46: {  	_ =	swait.ge [sflag:s24], $0x400  }
0x47: {  	[sflag:s24] =	ssyncset.done $0x0;
	s23 =	sld [smem:$0x7FD]  }
0x48: {  	s22 =	simm.s32 $0x1000;
	s21 =	rddreg [dreg:$0xd];
	[sflag:s24] =	ssyncadd.s32 $0xFFFFFC00  }
0x49: {  	[tilespmem:s22], [sflag:$0x8] =	stream.linear.gather [hbm4b:s21+s6], $0x400, $0x38;
	[tilespmem:$0x1F6B8] =	vst v63  }
0x4a: {  	p5 =	por @p0 $0x0, $0x0;
	p3 =	por @!p2 $0x1, $0x1;
	p2 =	seq.s32 s23, $0x1  }
0x4b: {  	p6 =	por @!p1 $0x0, $0x0;
	_ =	swait.ge [sflag:s24], $0x400;
	p5 =	por @!p2 p3, p3  }
0x4c: {  	p3 =	por @!p0 $0x0, $0x0;
	[sflag:s24] =	ssyncset.done $0x0;
	p5 =	por @!p1 p6, p6  }
0x4d: {  	s20 =	simm.s32 $0x0;
	[sflag:s24] =	ssyncadd.s32 $0xFFFFFC00;
	p5 =	por @!p0 p3, p3  }
.LBB2_2:
0x4e: {  	s6 =	sand.u32 $0x3, s20  }
0x4f: {  	s17 =	sshrl.u32 s20, $0x2;
	p3 =	sne.s32 s6, $0x0  }
0x50: {  	p6 =	seq.s32 @!p3 s17, $0x0  }
0x51: {  	p3 =	por p6, p3  }
0x52: {  	s21 =	simm.s32 @!p3 $0x7  }
0x53: {  	_ =	swait.ge @!p3 [sflag:s21], $0x400  }
0x54: {  	[sflag:s21] =	ssyncset.done @!p3 $0x0  }
0x55: {  	[sflag:s21] =	ssyncadd.s32 @!p3 $0xFFFFFC00  }
0x56: {  	p6 =	sgt.u32 s20, $0x3B;
	_ =	swait.ge @!p3 [sflag:s21], $0x400  }
0x57: {  	p2 =	sne.s32 @!p6 s6, $0x0;
	[sflag:s21] =	ssyncset.done @!p3 $0x0  }
0x58: {  	s17 =	sshll.u32 s17, $0xA;
	p6 =	por p2, p6;
	[sflag:s21] =	ssyncadd.s32 @!p3 $0xFFFFFC00  }
0x59: {  	s22 =	sand.u32 $0x400, s17;
	s23 =	sadd.s32 @!p6 s17, s19;
	_ =	swait.ge @!p3 [sflag:s21], $0x400  }
0x5a: {  	s9 =	simm.s32 @!p6 $0x0;
	s17 =	sshrl.u32 @!p6 s23, $0x3;
	[sflag:s21] =	ssyncset.done @!p3 $0x0  }
0x5b: {  	s23 =	sadd.s32 @!p6 s7, s17;
	[sflag:s21] =	ssyncadd.s32 @!p3 $0xFFFFFC00;
	s21 =	ssub.s32 @!p6 $0x400, s22  }
0x5c: {  	[tilespmem:s21], [sflag:$0x7] =	stream.linear.gather @!p6 [hbm4b:s23+s9], $0x400, $0x38;
	[tilespmem:$0x1F6B8] =	vst v63  }
0x5d: {  	s21 =	ssub.s32 @!p6 $0xC00, s22;
	s23 =	sadd.s32 @!p6 s8, s17  }
0x5e: {  	[tilespmem:s21], [sflag:$0x7] =	stream.linear.gather @!p6 [hbm4b:s23+s9], $0x400, $0x38;
	[tilespmem:$0x1F6B8] =	vst v63  }
0x5f: {  	s17 =	sadd.s32 @!p6 s10, s17;
	s23 =	sshll.u32 s6, $0x8;
	s6 =	ssub.s32 @!p6 $0x1400, s22  }
0x60: {  	[tilespmem:s6], [sflag:$0x7] =	stream.linear.gather @!p6 [hbm4b:s17+s9], $0x400, $0x38;
	[tilespmem:$0x1F6B8] =	vst v63  }
0x61: {  	p2 =	seq.s32 s20, $0x0;
	s17 =	sadd.s32 s23, s22;
	s6 =	sor.u32 $0x1000, s22  }
0x62: {  	[tilespmem:s29], [sflag:$0x1] =	stream.indirect.gather [hbm4b:s1+s28], $0x80, s17, s28, $0xb8;
	[tilespmem:$0x1F6B8] =	vst v63  }
0x63: {  	s9 =	simm.s32 @!p2 $0x5;
	s21 =	sadd.s32 s23, s6  }
0x64: {  	[tilespmem:s30], [sflag:$0x3] =	stream.indirect.gather [spmem:s4], $0x80, s21, s28, $0xb8;
	[tilespmem:$0x1F6B8] =	vst v63  }
0x65: {  	_ =	swait.ge @!p2 [sflag:s9], $0x2800  }
0x66: {  	[sflag:s9] =	ssyncset.done @!p2 $0x0  }
0x67: {  	[sflag:s9] =	ssyncadd.s32 @!p2 $0xFFFFD800;
	s9 =	simm.s32 @!p2 $0x6  }
0x68: {  	_ =	swait.ge @!p2 [sflag:s9], $0x50  }
0x69: {  	s21 =	sor.u32 $0x80, s23;
	[sflag:s9] =	ssyncset.done @!p2 $0x0  }
0x6a: {  	s17 =	sadd.s32 s21, s22;
	[sflag:s9] =	ssyncadd.s32 @!p2 $0xFFFFFFB0  }
0x6b: {  	[tilespmem:s31], [sflag:$0x2] =	stream.indirect.gather [hbm4b:s1+s28], $0x80, s17, s28, $0xb8;
	[tilespmem:$0x1F6B8] =	vst v63  }
0x6c: {  	s6 =	sadd.s32 s21, s6  }
0x6d: {  	[tilespmem:s0], [sflag:$0x4] =	stream.indirect.gather [spmem:s4], $0x80, s6, s28, $0xb8;
	[tilespmem:$0x1F6B8] =	vst v63  }
0x6e: {  	_ =	swait.ge [sflag:s2], $0x2800  }
0x6f: {  	[sflag:s2] =	ssyncset.done $0x0  }
0x70: {  	[sflag:s2] =	ssyncadd.s32 $0xFFFFD800  }
0x71: {  	_ =	swait.ge [sflag:s25], $0x2800  }
0x72: {  	[sflag:s25] =	ssyncset.done $0x0  }
0x73: {  	s17 =	simm.s32 $0x0;
	[sflag:s25] =	ssyncadd.s32 $0xFFFFD800  }
0x74: {  	v8 =	vld [tilespmem:s17+$0x6800]  }
0x75: {  	v12 =	vld [tilespmem:s17+$0x6810]  }
0x76: {  	v6 =	vld [tilespmem:s17+$0x6820]  }
0x77: {  	v5 =	vld [tilespmem:s17+$0x6830]  }
0x78: {  	v4 =	vld [tilespmem:s17+$0x6840]  }
0x79: {  	v3 =	vld [tilespmem:s17+$0x6850]  }
0x7a: {  	v2 =	vld [tilespmem:s17+$0x6860]  }
0x7b: {  	v1 =	vld [tilespmem:s17+$0x6870]  }
0x7c: {  	v13 =	vld [tilespmem:s17+$0x1800]  }
0x7d: {  	v14 =	vld [tilespmem:s17+$0x1810]  }
0x7e: {  	v11 =	vld [tilespmem:s17+$0x1820]  }
0x7f: {  	v10 =	vld [tilespmem:s17+$0x1830]  }
0x80: {  	v9 =	vld [tilespmem:s17+$0x1840]  }
0x81: {  	v7 =	vld [tilespmem:s17+$0x1850];
	v13 =	vmul.f32 v8, v13  }
0x82: {  	s6 =	simm.s32 $0x200;
	v12 =	vmul.f32 v12, v14;
	v8 =	vld [tilespmem:s17+$0x1860]  }
.LBB2_3:
0x83: {  	s9 =	sshra.s32 s6, $0x2;
	p6 =	sne.s32 s6, $0x9E00;
	[tilespmem:s17+$0x1800] =	vst v13;
	v6 =	vmul.f32 v6, v11;
	v11 =	vld [tilespmem:s17+$0x1870]  }
0x84: {  	v13 =	vld [tilespmem:s9+$0x6800];
	[tilespmem:s17+$0x1810] =	vst v12;
	v5 =	vmul.f32 v5, v10  }
0x85: {  	v12 =	vld [tilespmem:s9+$0x6810];
	[tilespmem:s17+$0x1820] =	vst v6;
	v4 =	vmul.f32 v4, v9  }
0x86: {  	v6 =	vld [tilespmem:s9+$0x6820];
	[tilespmem:s17+$0x1830] =	vst v5;
	v3 =	vmul.f32 v3, v7  }
0x87: {  	v5 =	vld [tilespmem:s9+$0x6830];
	[tilespmem:s17+$0x1840] =	vst v4;
	v2 =	vmul.f32 v2, v8  }
0x88: {  	v4 =	vld [tilespmem:s9+$0x6840];
	[tilespmem:s17+$0x1850] =	vst v3;
	v1 =	vmul.f32 v1, v11  }
0x89: {  	v3 =	vld [tilespmem:s9+$0x6850];
	[tilespmem:s17+$0x1860] =	vst v2  }
0x8a: {  	v2 =	vld [tilespmem:s9+$0x6860];
	[tilespmem:s17+$0x1870] =	vst v1;
	s17 =	smov.u32 s9  }
0x8b: {  	v1 =	vld [tilespmem:s17+$0x6870]  }
0x8c: {  	v7 =	vld [tilespmem:s17+$0x1800]  }
0x8d: {  	v8 =	vld [tilespmem:s17+$0x1810]  }
.Ltmp0:
0x8e: {  	v11 =	vld [tilespmem:s17+$0x1820];
	(pc) =	sbr.rel @p6 .LBB2_3-.Ltmp0, $4  }
0x8f: {  	v10 =	vld [tilespmem:s17+$0x1830]  }
0x90: {  	v9 =	vld [tilespmem:s17+$0x1840]  }
0x91: {  	v13 =	vmul.f32 v13, v7;
	v7 =	vld [tilespmem:s17+$0x1850]  }
0x92: {  	s6 =	sadd.s32 $0x200, s6;
	v12 =	vmul.f32 v12, v8;
	v8 =	vld [tilespmem:s17+$0x1860]  }
0x93: {  	[tilespmem:s17+$0x1800] =	vst v13;
	v6 =	vmul.f32 v6, v11;
	v11 =	vld [tilespmem:s17+$0x1870]  }
0x94: {  	[tilespmem:s17+$0x1810] =	vst v12;
	v5 =	vmul.f32 v5, v10  }
0x95: {  	[tilespmem:s17+$0x1820] =	vst v6;
	v4 =	vmul.f32 v4, v9  }
0x96: {  	[tilespmem:s17+$0x1830] =	vst v5;
	v3 =	vmul.f32 v3, v7  }
0x97: {  	[tilespmem:s17+$0x1840] =	vst v4;
	v2 =	vmul.f32 v2, v8  }
0x98: {  	[tilespmem:s17+$0x1850] =	vst v3;
	v1 =	vmul.f32 v1, v11  }
0x99: {  	s22 =	sor.u32 $0x800, s22;
	[tilespmem:s17+$0x1860] =	vst v2  }
0x9a: {  	s6 =	sadd.s32 s23, s22;
	[tilespmem:s17+$0x1870] =	vst v1  }
0x9b: {  	[spmem:s3] =	stream.indirect.scatter.add.f32 [tilespmem:s29], [sflag:$0x5], $0x80, s6, s28, $0xb8;
	[tilespmem:$0x1F6B8] =	vst v63  }
0x9c: {  	_ = 	snop  }
0x9d: {  	[spmem:s5] =	stream.indirect.scatter.add.f32 [tilespmem:s26], [sflag:$0x6], $0x1, s6, s28, $0xb8;
	[tilespmem:$0x1F6B8] =	vst v63  }
0x9e: {  	_ =	swait.ge [sflag:s11], $0x2800  }
0x9f: {  	[sflag:s11] =	ssyncset.done $0x0  }
0xa0: {  	[sflag:s11] =	ssyncadd.s32 $0xFFFFD800  }
0xa1: {  	_ =	swait.ge [sflag:s13], $0x2800  }
0xa2: {  	[sflag:s13] =	ssyncset.done $0x0  }
0xa3: {  	s17 =	simm.s32 $0x0;
	[sflag:s13] =	ssyncadd.s32 $0xFFFFD800  }
0xa4: {  	v8 =	vld [tilespmem:s17+$0x9000]  }
0xa5: {  	v12 =	vld [tilespmem:s17+$0x9010]  }
0xa6: {  	v6 =	vld [tilespmem:s17+$0x9020]  }
0xa7: {  	v5 =	vld [tilespmem:s17+$0x9030]  }
0xa8: {  	v4 =	vld [tilespmem:s17+$0x9040]  }
0xa9: {  	v3 =	vld [tilespmem:s17+$0x9050]  }
0xaa: {  	v2 =	vld [tilespmem:s17+$0x9060]  }
0xab: {  	v1 =	vld [tilespmem:s17+$0x9070]  }
0xac: {  	v13 =	vld [tilespmem:s17+$0x4000]  }
0xad: {  	v14 =	vld [tilespmem:s17+$0x4010]  }
0xae: {  	v11 =	vld [tilespmem:s17+$0x4020]  }
0xaf: {  	v10 =	vld [tilespmem:s17+$0x4030]  }
0xb0: {  	v9 =	vld [tilespmem:s17+$0x4040]  }
0xb1: {  	v7 =	vld [tilespmem:s17+$0x4050];
	v13 =	vmul.f32 v8, v13  }
0xb2: {  	s6 =	simm.s32 $0x200;
	v12 =	vmul.f32 v12, v14;
	v8 =	vld [tilespmem:s17+$0x4060]  }
.LBB2_5:
0xb3: {  	s9 =	sshra.s32 s6, $0x2;
	p6 =	sne.s32 s6, $0x9E00;
	[tilespmem:s17+$0x4000] =	vst v13;
	v6 =	vmul.f32 v6, v11;
	v11 =	vld [tilespmem:s17+$0x4070]  }
0xb4: {  	v13 =	vld [tilespmem:s9+$0x9000];
	[tilespmem:s17+$0x4010] =	vst v12;
	v5 =	vmul.f32 v5, v10  }
0xb5: {  	v12 =	vld [tilespmem:s9+$0x9010];
	[tilespmem:s17+$0x4020] =	vst v6;
	v4 =	vmul.f32 v4, v9  }
0xb6: {  	v6 =	vld [tilespmem:s9+$0x9020];
	[tilespmem:s17+$0x4030] =	vst v5;
	v3 =	vmul.f32 v3, v7  }
0xb7: {  	v5 =	vld [tilespmem:s9+$0x9030];
	[tilespmem:s17+$0x4040] =	vst v4;
	v2 =	vmul.f32 v2, v8  }
0xb8: {  	v4 =	vld [tilespmem:s9+$0x9040];
	[tilespmem:s17+$0x4050] =	vst v3;
	v1 =	vmul.f32 v1, v11  }
0xb9: {  	v3 =	vld [tilespmem:s9+$0x9050];
	[tilespmem:s17+$0x4060] =	vst v2  }
0xba: {  	v2 =	vld [tilespmem:s9+$0x9060];
	[tilespmem:s17+$0x4070] =	vst v1;
	s17 =	smov.u32 s9  }
0xbb: {  	v1 =	vld [tilespmem:s17+$0x9070]  }
0xbc: {  	v7 =	vld [tilespmem:s17+$0x4000]  }
0xbd: {  	v8 =	vld [tilespmem:s17+$0x4010]  }
.Ltmp1:
0xbe: {  	v11 =	vld [tilespmem:s17+$0x4020];
	(pc) =	sbr.rel @p6 .LBB2_5-.Ltmp1, $4  }
0xbf: {  	v10 =	vld [tilespmem:s17+$0x4030]  }
0xc0: {  	v9 =	vld [tilespmem:s17+$0x4040]  }
0xc1: {  	v13 =	vmul.f32 v13, v7;
	v7 =	vld [tilespmem:s17+$0x4050]  }
0xc2: {  	s6 =	sadd.s32 $0x200, s6;
	v12 =	vmul.f32 v12, v8;
	v8 =	vld [tilespmem:s17+$0x4060]  }
0xc3: {  	[tilespmem:s17+$0x4000] =	vst v13;
	v6 =	vmul.f32 v6, v11;
	v63 =	vld [tilespmem:s17+$0x4070]  }
0xc4: {  	[tilespmem:s17+$0x4010] =	vst v12;
	v5 =	vmul.f32 v5, v10  }
0xc5: {  	[tilespmem:s17+$0x4020] =	vst v6;
	v4 =	vmul.f32 v4, v9  }
0xc6: {  	[tilespmem:s17+$0x4030] =	vst v5;
	v3 =	vmul.f32 v3, v7  }
0xc7: {  	[tilespmem:s17+$0x4040] =	vst v4;
	v2 =	vmul.f32 v2, v8  }
0xc8: {  	[tilespmem:s17+$0x4050] =	vst v3;
	v1 =	vmul.f32 v1, v63  }
0xc9: {  	[tilespmem:s17+$0x4060] =	vst v2  }
0xca: {  	[tilespmem:s17+$0x4070] =	vst v1  }
0xcb: {  	_ =	swait.ge [sflag:s15], $0x2800  }
0xcc: {  	[sflag:s15] =	ssyncset.done $0x0  }
0xcd: {  	s20 =	sadd.s32 $0x1, s20;
	[sflag:s15] =	ssyncadd.s32 $0xFFFFD800  }
0xce: {  	p2 =	sne.s32 s20, $0x3E;
	_ =	swait.ge [sflag:s16], $0x50  }
.Ltmp2:
0xcf: {  	[sflag:s16] =	ssyncset.done $0x0;
	(pc) =	sbr.rel @p2 .LBB2_2-.Ltmp2, $4  }
0xd0: {  	s6 =	sadd.s32 s21, s22;
	[sflag:s16] =	ssyncadd.s32 $0xFFFFFFB0  }
0xd1: {  	[spmem:s3] =	stream.indirect.scatter.add.f32 [tilespmem:s31], [sflag:$0x5], $0x80, s6, s28, $0xb8;
	[tilespmem:$0x1F6B8] =	vst v63  }
0xd2: {  	_ = 	snop  }
0xd3: {  	[spmem:s5] =	stream.indirect.scatter.add.f32 [tilespmem:s26], [sflag:$0x6], $0x1, s6, s28, $0xb8;
	[tilespmem:$0x1F6B8] =	vst v63  }
0xd4: {  	_ =	swait.ge [sflag:s15], $0x2800  }
0xd5: {  	[sflag:s15] =	ssyncset.done $0x0  }
0xd6: {  	[sflag:s15] =	ssyncadd.s32 $0xFFFFD800  }
0xd7: {  	_ =	swait.ge [sflag:s16], $0x50  }
0xd8: {  	[sflag:s16] =	ssyncset.done $0x0  }
0xd9: {  	s6 =	simm.s32 $0x600;
	[sflag:s16] =	ssyncadd.s32 $0xFFFFFFB0  }
0xda: {  	[tilespmem:s29], [sflag:$0x1] =	stream.indirect.gather [hbm4b:s1+s28], $0x80, s6, s28, $0xb8;
	[tilespmem:$0x1F6B8] =	vst v63  }
0xdb: {  	s23 =	simm.s32 $0x1600  }
0xdc: {  	[tilespmem:s30], [sflag:$0x3] =	stream.indirect.gather [spmem:s4], $0x80, s23, s28, $0xb8;
	[tilespmem:$0x1F6B8] =	vst v63  }
0xdd: {  	_ =	swait.ge [sflag:s2], $0x2800  }
0xde: {  	[sflag:s2] =	ssyncset.done $0x0  }
0xdf: {  	[sflag:s2] =	ssyncadd.s32 $0xFFFFD800  }
0xe0: {  	_ =	swait.ge [sflag:s25], $0x2800  }
0xe1: {  	[sflag:s25] =	ssyncset.done $0x0  }
0xe2: {  	s17 =	simm.s32 $0x0;
	[sflag:s25] =	ssyncadd.s32 $0xFFFFD800  }
0xe3: {  	v8 =	vld [tilespmem:s17+$0x6800]  }
0xe4: {  	v12 =	vld [tilespmem:s17+$0x6810]  }
0xe5: {  	v6 =	vld [tilespmem:s17+$0x6820]  }
0xe6: {  	v5 =	vld [tilespmem:s17+$0x6830]  }
0xe7: {  	v4 =	vld [tilespmem:s17+$0x6840]  }
0xe8: {  	v3 =	vld [tilespmem:s17+$0x6850]  }
0xe9: {  	v2 =	vld [tilespmem:s17+$0x6860]  }
0xea: {  	v1 =	vld [tilespmem:s17+$0x6870]  }
0xeb: {  	v13 =	vld [tilespmem:s17+$0x1800]  }
0xec: {  	v14 =	vld [tilespmem:s17+$0x1810]  }
0xed: {  	v11 =	vld [tilespmem:s17+$0x1820]  }
0xee: {  	v10 =	vld [tilespmem:s17+$0x1830]  }
0xef: {  	v9 =	vld [tilespmem:s17+$0x1840]  }
0xf0: {  	v7 =	vld [tilespmem:s17+$0x1850];
	v13 =	vmul.f32 v8, v13  }
0xf1: {  	s6 =	simm.s32 $0x200;
	v12 =	vmul.f32 v12, v14;
	v8 =	vld [tilespmem:s17+$0x1860]  }
.LBB2_8:
0xf2: {  	s9 =	sshra.s32 s6, $0x2;
	p6 =	sne.s32 s6, $0x9E00;
	[tilespmem:s17+$0x1800] =	vst v13;
	v6 =	vmul.f32 v6, v11;
	v11 =	vld [tilespmem:s17+$0x1870]  }
0xf3: {  	v13 =	vld [tilespmem:s9+$0x6800];
	[tilespmem:s17+$0x1810] =	vst v12;
	v5 =	vmul.f32 v5, v10  }
0xf4: {  	v12 =	vld [tilespmem:s9+$0x6810];
	[tilespmem:s17+$0x1820] =	vst v6;
	v4 =	vmul.f32 v4, v9  }
0xf5: {  	v6 =	vld [tilespmem:s9+$0x6820];
	[tilespmem:s17+$0x1830] =	vst v5;
	v3 =	vmul.f32 v3, v7  }
0xf6: {  	v5 =	vld [tilespmem:s9+$0x6830];
	[tilespmem:s17+$0x1840] =	vst v4;
	v2 =	vmul.f32 v2, v8  }
0xf7: {  	v4 =	vld [tilespmem:s9+$0x6840];
	[tilespmem:s17+$0x1850] =	vst v3;
	v1 =	vmul.f32 v1, v11  }
0xf8: {  	v3 =	vld [tilespmem:s9+$0x6850];
	[tilespmem:s17+$0x1860] =	vst v2  }
0xf9: {  	v2 =	vld [tilespmem:s9+$0x6860];
	[tilespmem:s17+$0x1870] =	vst v1;
	s17 =	smov.u32 s9  }
0xfa: {  	v1 =	vld [tilespmem:s17+$0x6870]  }
0xfb: {  	v7 =	vld [tilespmem:s17+$0x1800]  }
0xfc: {  	v8 =	vld [tilespmem:s17+$0x1810]  }
.Ltmp3:
0xfd: {  	v11 =	vld [tilespmem:s17+$0x1820];
	(pc) =	sbr.rel @p6 .LBB2_8-.Ltmp3, $4  }
0xfe: {  	v10 =	vld [tilespmem:s17+$0x1830]  }
0xff: {  	v9 =	vld [tilespmem:s17+$0x1840]  }
0x100: {  	v13 =	vmul.f32 v13, v7;
	v7 =	vld [tilespmem:s17+$0x1850]  }
0x101: {  	s6 =	sadd.s32 $0x200, s6;
	v12 =	vmul.f32 v12, v8;
	v8 =	vld [tilespmem:s17+$0x1860]  }
0x102: {  	[tilespmem:s17+$0x1800] =	vst v13;
	v6 =	vmul.f32 v6, v11;
	v63 =	vld [tilespmem:s17+$0x1870]  }
0x103: {  	[tilespmem:s17+$0x1810] =	vst v12;
	v5 =	vmul.f32 v5, v10  }
0x104: {  	[tilespmem:s17+$0x1820] =	vst v6;
	v4 =	vmul.f32 v4, v9  }
0x105: {  	[tilespmem:s17+$0x1830] =	vst v5;
	v3 =	vmul.f32 v3, v7  }
0x106: {  	[tilespmem:s17+$0x1840] =	vst v4;
	v2 =	vmul.f32 v2, v8  }
0x107: {  	[tilespmem:s17+$0x1850] =	vst v3;
	v1 =	vmul.f32 v1, v63  }
0x108: {  	[tilespmem:s17+$0x1860] =	vst v2  }
0x109: {  	s6 =	simm.s32 $0xE00;
	[tilespmem:s17+$0x1870] =	vst v1  }
0x10a: {  	[spmem:s3] =	stream.indirect.scatter.add.f32 [tilespmem:s29], [sflag:$0x8], $0x80, s6, s28, $0xb8;
	[tilespmem:$0x1F6B8] =	vst v63  }
0x10b: {  	_ =	swait.ge [sflag:s24], $0x2800  }
0x10c: {  	[sflag:s24] =	ssyncset.done $0x0  }
0x10d: {  	[sflag:s24] =	ssyncadd.s32 $0xFFFFD800  }
0x10e: {  	[spmem:s5] =	stream.indirect.scatter.add.f32 [tilespmem:s26], [sflag:$0x8], $0x1, s6, s28, $0xb8;
	[tilespmem:$0x1F6B8] =	vst v63  }
0x10f: {  	_ =	swait.ge [sflag:s24], $0x50  }
0x110: {  	[sflag:s24] =	ssyncset.done $0x0  }
0x111: {  	[sflag:s24] =	ssyncadd.s32 $0xFFFFFFB0  }
0x112: {  	[bflag:$0x0] =	sbarrier.arrive $0xFFFF  }
0x113: {  	s9 =	simm.s32 @p4 $0x1FC8;
	s6 =	sshrl.u32 @p4 s14, $0x3;
	s17 =	rddreg [dreg:$0xf]  }
0x114: {  	[hbm:s17], [sflag:s9] =	dma.local @p4 [spmem:s6], $0x2800  }
0x115: {  	s6 =	simm.s32 @p4 $0x8  }
0x116: {  	s22 =	stileid.u32;
	_ =	swait.ge @p4 [sflag:s6], $0x2800  }
0x117: {  	s9 =	sshll.u32 @!p4 s22, $0x6;
	[sflag:s6] =	ssyncset.done @p4 $0x0;
	s17 =	rddreg [dreg:$0xe]  }
0x118: {  	[sflag:s6] =	ssyncadd.s32 @p4 $0xFFFFD800;
	s6 =	sor.u32 @!p4 $0x1C08, s9;
	s9 =	sshrl.u32 @!p4 s12, $0x3  }
0x119: {  	[hbm:s17], [sflag:s6] =	dma.local @!p4 [spmem:s9], $0x2700  }
0x11a: {  	s20 =	simm.s32 @p5 $0x20;
	s6 =	simm.s32 @!p4 $0x8  }
0x11b: {  	s21 =	simm.s32 @p5 $0x10;
	s9 =	sshll.u32 @p5 s22, $0x6;
	_ =	swait.ge @!p4 [sflag:s6], $0x2700  }
0x11c: {  	s17 =	simm.s32 @p5 $0x1;
	[sflag:s6] =	ssyncset.done @!p4 $0x0;
	s23 =	rddreg [dreg:$0x10]  }
0x11d: {  	[sflag:s6] =	ssyncadd.s32 @!p4 $0xFFFFD900;
	s6 =	sor.u32 @p5 $0x1C08, s9;
	s9 =	sshrl.u32 @p5 s5, $0x3  }
0x11e: {  	[hbm:s23@s20], [sflag:s6] =	dma.strided @p5 [spmem:s9@s21], $0x4F0, s17, $0x10   }
0x11f: {  	s6 =	simm.s32 @p5 $0x8  }
0x120: {  	_ =	swait.ge @p5 [sflag:s6], $0x4F0  }
0x121: {  	s18 =	sadd.s32 $0x1, s18;
	s23 =	rddreg [dreg:$0x11]  }
0x122: {  	p2 =	sne.s32 s18, s23  }
.Ltmp4:
0x123: {  	_ = 	snop;
	(pc) =	sbr.rel @p2 .LBB2_1-.Ltmp4, $3  }
0x124: {  	_ =	sdelay $0x1  }
0x125: {  	[sflag:s6] =	ssyncset.done @p5 $0x0  }
0x126: {  	[sflag:s6] =	ssyncadd.s32 @p5 $0xFFFFFB10  }
0x127: {  	_ =	sfence.sel $0x180000  }
0x128: {  	[bflag:$0x0] =	sbarrier.arrive $0xFFFF  }
0x129: {  	_ =	strace $0x90000047  }
0x12a: {  	[bflag:$0x2] =	sbarrier.arrive $0xFFFF  }
0x12b: {  	p0 =	sne.s32 s22, $0x0;
	s0 =	rddreg [dreg:$0x7]  }
0x12c: {  	s0 =	sadd.s32 @!p0 $0x100000, s0  }
0x12d: {  	[sflag:s0] =	ssyncadd.tile.s32 @!p0 $0x1;
	_ =	shalt  }
.Lfunc_end2:
_tile_overlayer_lowered:
.L_overlay_start_2:
0x12e: {  	(tag) =	ssettag $0x2  }
0x12f: {  	s0 =	rddreg [dreg:$0x0];
	s2 =	stileid.u32  }
0x130: {  	s1 =	rddreg [dreg:$0x1];
	p0 =	sne.s32 s2, $0x0  }
0x131: {  	s3 =	rddreg [dreg:$0x2];
	[bflag:$0x3] =	sbarrier.arrive $0xFFFF;
	s2 =	simm.s32 @!p0 $0x1C08  }
0x132: {  	[timem:s3], [sflag:s2] =	dma.local @!p0 [hbm:s0], s1  }
0x133: {  	s0 =	simm.s32 @!p0 $0x8  }
0x134: {  	_ =	swait.ge @!p0 [sflag:s0], s1  }
0x135: {  	s1 =	ssub.s32 @!p0 $0x0, s1;
	[sflag:s0] =	ssyncset.done @!p0 $0x0  }
0x136: {  	[sflag:s0] =	ssyncadd.s32 @!p0 s1  }
0x137: {  	[bflag:$0x3] =	sbarrier.arrive $0xFFFF  }
0x138: {  	_ =	shalt  }

</sc_bundles>
